<compile_context>
chip_gen: v7x
topology: tpu7x:2x2x1
jax: 0.10.2.dev20260603
libtpu: 0.0.44.dev20260713+nightly
codegen_flags: <defaults>
</compile_context>

<pallas_src>
import functools

import jax
import jax.numpy as jnp
from jax import lax
from jax.experimental import pallas as pl
from jax.experimental.pallas import tpu as pltpu
from jax.experimental.pallas import tpu_sc as plsc

_NC = 2
_NS = 16
_NW = _NC * _NS
_D = 128
_Q = 2
_QD = _Q * _D
_IDXW = 128
_DESC = 128
_LANES = 16
_NBUF = 3
_AHEAD = 1


def kernel(resource_ids, id_embedding):
    n_rows, n_cols = resource_ids.shape
    B = n_rows * n_cols
    nq = B // _Q
    n_per_w = nq // _NW
    n_irows = (n_per_w * _Q) // _IDXW
    n_desc = n_per_w // _DESC
    n_outer = n_desc // _NBUF
    ids = resource_ids.reshape(_NW, n_irows, _IDXW)

    qi = jnp.arange(16, dtype=jnp.int32)
    qtab = jnp.concatenate(
        [jnp.take(id_embedding, (qi >> s) & 3, axis=0) for s in (2, 0)],
        axis=1,
    ).reshape(16, _Q, _D)

    mesh = plsc.VectorSubcoreMesh(core_axis_name="c", subcore_axis_name="s")

    @functools.partial(
        pl.kernel,
        mesh=mesh,
        out_type=jax.ShapeDtypeStruct((nq, _Q, _D), jnp.float32),
        scratch_types=[
            pltpu.VMEM((n_irows, _IDXW), jnp.int32),
            pltpu.VMEM_SHARED((16, _Q, _D), jnp.float32),
        ]
        + [pltpu.VMEM((_DESC, _Q, _D), jnp.float32) for _ in range(_NBUF)]
        + [pltpu.SemaphoreType.DMA for _ in range(2 * _NBUF)],
        compiler_params=pltpu.CompilerParams(needs_layout_passes=False),
    )
    def _emb(ids_hbm, qtab_hbm, out_hbm, idx_v, tab_s, *bufs_sems):
        rows = bufs_sems[:_NBUF]
        gsems = bufs_sems[_NBUF : 2 * _NBUF]
        osems = bufs_sems[2 * _NBUF :]
        sid = lax.axis_index("s")
        wid = sid * _NC + lax.axis_index("c")

        @pl.when(sid == 0)
        def _stage_table():
            pltpu.sync_copy(qtab_hbm, tab_s)

        pltpu.sync_copy(ids_hbm.at[wid], idx_v)

        def clamp_row(r, carry):
            row = idx_v.at[r]
            for j in range(_IDXW // _LANES):
                sl = pl.ds(j * _LANES, _LANES)
                row[sl] = jnp.minimum(row[sl], 3)
            return carry

        lax.fori_loop(0, n_irows, clamp_row, 0)

        def pack_row(d, carry):
            iot = lax.iota(jnp.int32, _LANES)
            dst = idx_v.at[_Q * d]
            for h in range(_IDXW // _LANES):
                src = idx_v.at[_Q * d + (h * _LANES * _Q) // _IDXW]
                cbase = (h * _LANES * _Q) % _IDXW
                acc = None
                for k in range(_Q):
                    v = plsc.load_gather(src, [cbase + iot * _Q + k])
                    acc = v if acc is None else (acc * 4 + v)
                dst[pl.ds(h * _LANES, _LANES)] = acc
            return carry

        lax.fori_loop(0, n_desc, pack_row, 0)
        plsc.subcore_barrier()

        out_base = wid * n_per_w

        def start_gather(d, b):
            pltpu.async_copy(tab_s.at[idx_v.at[_Q * d]], rows[b], gsems[b])

        def start_out(d, b):
            pltpu.async_copy(
                rows[b], out_hbm.at[pl.ds(out_base + d * _DESC, _DESC)], osems[b]
            )

        def drain(sem, buf):
            pltpu.make_async_copy(out_hbm.at[pl.ds(out_base, _DESC)], buf, sem).wait()

        for a in range(_AHEAD):
            start_gather(a, a)

        def outer(t, carry):
            for b in range(_NBUF):
                d = t * _NBUF + b
                drain(gsems[b], rows[b])
                start_out(d, b)
                b2 = (b + _AHEAD) % _NBUF
                dnxt = d + _AHEAD

                def _prefetch():
                    drain(osems[b2], rows[b2])
                    start_gather(dnxt, b2)

                def _prefetch_first():
                    start_gather(dnxt, b2)

                if b + _AHEAD < _NBUF:

                    @pl.when(t == 0)
                    def _p0():
                        _prefetch_first()

                    @pl.when(t >= 1)
                    def _p1():
                        _prefetch()
                else:

                    @pl.when(t < n_outer - 1)
                    def _p2():
                        _prefetch()
            return carry

        lax.fori_loop(0, n_outer, outer, 0)
        for d in range(n_outer * _NBUF, n_desc):
            b = d % _NBUF
            drain(osems[b], rows[b])
            start_gather(d, b)
            drain(gsems[b], rows[b])
            start_out(d, b)
        for d in range(n_desc - _NBUF, n_desc):
            drain(osems[d % _NBUF], rows[d % _NBUF])

    out = _emb(ids, qtab)
    return out.reshape(n_rows, n_cols, _D)

# --- scband reference (transcript-rebuilt; emitter-appended) ---
"""Pipeline reference for scband-resource-idencoder-7687991460560 (READ-ONLY COPY).

The authoritative reference and input builder live on the scoring server;
editing this copy changes nothing except your own understanding.
"""

import jax, jax.numpy as jnp
import numpy as np


def setup_inputs(seed: int = 0) -> dict:
    key = jax.random.key(seed)
    k1, k2 = jax.random.split(key)
    resource_ids = jax.random.randint(k1, (4096, 200), 0, 8, dtype=jnp.int64 if jax.config.jax_enable_x64 else jnp.int32).astype(jnp.int32)
    # Embedding table: num_embeddings=4, d_model=128, padding_idx=0 -> row 0 is zeros
    id_embedding = jax.random.normal(k2, (4, 128), dtype=jnp.float32)
    id_embedding = id_embedding.at[0].set(0.0)
    return {"resource_ids": resource_ids, "id_embedding": id_embedding}


def reference(resource_ids, id_embedding):
    # type_ids = clamp(resource_ids, max=3)
    type_ids = jnp.minimum(resource_ids, 3)
    # embedding lookup (gather)
    id_emb = jnp.take(id_embedding, type_ids, axis=0)
    # dropout is identity in inference / deterministic reference
    return id_emb

if __name__ == "__main__":
    import jax
    _d = setup_inputs()
    print(jax.jit(kernel)(*tuple(_d.values())))

</pallas_src>

<mosaic_0001>
#map = affine_map<(d0, d1) -> (0, 0, 0)>
module attributes {stable_mosaic.version = 14 : i64} {
  func.func @_emb(%arg0: i32, %arg1: i32, %arg2: memref<32x200x128xi32, #tpu.memory_space<hbm>>, %arg3: memref<16x2x128xf32, #tpu.memory_space<hbm>>, %arg4: memref<409600x2x128xf32, #tpu.memory_space<hbm>>, %arg5: memref<200x128xi32, #tpu.memory_space<vmem>>, %arg6: memref<16x2x128xf32, #tpu.memory_space<vmem_shared>>, %arg7: memref<128x2x128xf32, #tpu.memory_space<vmem>>, %arg8: memref<128x2x128xf32, #tpu.memory_space<vmem>>, %arg9: memref<128x2x128xf32, #tpu.memory_space<vmem>>, %arg10: memref<!tpu.dma_semaphore, #tpu.memory_space<semaphore_mem>>, %arg11: memref<!tpu.dma_semaphore, #tpu.memory_space<semaphore_mem>>, %arg12: memref<!tpu.dma_semaphore, #tpu.memory_space<semaphore_mem>>, %arg13: memref<!tpu.dma_semaphore, #tpu.memory_space<semaphore_mem>>, %arg14: memref<!tpu.dma_semaphore, #tpu.memory_space<semaphore_mem>>, %arg15: memref<!tpu.dma_semaphore, #tpu.memory_space<semaphore_mem>>) attributes {dimension_semantics = [#tpu.dimension_semantics<core_parallel>, #tpu.dimension_semantics<subcore_parallel>], iteration_bounds = array<i64: 2, 16>, scalar_prefetch = 0 : i64, scratch_operands = 11 : i64, tpu.core_type = #tpu.core_type<sc_vector_subcore>, window_params = [{transform_indices = #map}, {transform_indices = #map}, {transform_indices = #map}]} {
    %mul3A = arith.constant 2 : i32
    %mul3A_0 = arith.muli %arg1, %mul3A : i32
    %add3A = arith.addi %mul3A_0, %arg0 : i32
    %eq3A = arith.constant 0 : i32
    %eq3A_1 = arith.cmpi eq, %arg1, %eq3A : i32
    %convert_element_type3A = arith.extui %eq3A_1 : i1 to i32
    %cond3A = arith.constant 0 : i32
    %cond3A_2 = arith.cmpi ne, %convert_element_type3A, %cond3A : i32
    scf.if %cond3A_2 {
      "tpu.region"() ({
        %run_scoped3A = tpu.sem_alloc : memref<!tpu.dma_semaphore, #tpu.memory_space<semaphore_mem>>
        tpu.enqueue_dma source(%arg3 : memref<16x2x128xf32, #tpu.memory_space<hbm>>) target(%arg6 : memref<16x2x128xf32, #tpu.memory_space<vmem_shared>>) target_semaphore(%run_scoped3A : memref<!tpu.dma_semaphore, #tpu.memory_space<semaphore_mem>>)
        tpu.wait_dma2 semaphore(%run_scoped3A : memref<!tpu.dma_semaphore, #tpu.memory_space<semaphore_mem>>) src(%arg3 : memref<16x2x128xf32, #tpu.memory_space<hbm>>) dst(%arg6 : memref<16x2x128xf32, #tpu.memory_space<vmem_shared>>)
        tpu.yield
      }) : () -> ()
    } else {
    }
    "tpu.region"() ({
      %run_scoped3A = tpu.sem_alloc : memref<!tpu.dma_semaphore, #tpu.memory_space<semaphore_mem>>
      %dma_start3A_74 = arith.constant 0 : i32
      %dma_start3A_75 = arith.constant 0 : i32
      %dma_start3A_76 = tpu.memref_slice %arg2[%add3A, %dma_start3A_74, %dma_start3A_75] : memref<32x200x128xi32, #tpu.memory_space<hbm>> -> memref<1x200x128xi32, #tpu.memory_space<hbm>>
      %dma_start3A_77 = tpu.memref_squeeze %dma_start3A_76 : memref<1x200x128xi32, #tpu.memory_space<hbm>> -> memref<200x128xi32, #tpu.memory_space<hbm>>
      %dma_start3A_78 = arith.constant 0 : i32
      %dma_start3A_79 = arith.constant 0 : i32
      %dma_start3A_80 = tpu.memref_slice %arg2[%add3A, %dma_start3A_78, %dma_start3A_79] : memref<32x200x128xi32, #tpu.memory_space<hbm>> -> memref<1x200x128xi32, #tpu.memory_space<hbm>>
      %dma_start3A_81 = tpu.memref_squeeze %dma_start3A_80 : memref<1x200x128xi32, #tpu.memory_space<hbm>> -> memref<200x128xi32, #tpu.memory_space<hbm>>
      tpu.enqueue_dma source(%dma_start3A_81 : memref<200x128xi32, #tpu.memory_space<hbm>>) target(%arg5 : memref<200x128xi32, #tpu.memory_space<vmem>>) target_semaphore(%run_scoped3A : memref<!tpu.dma_semaphore, #tpu.memory_space<semaphore_mem>>)
      %dma_wait3A_82 = arith.constant 0 : i32
      %dma_wait3A_83 = arith.constant 0 : i32
      %dma_wait3A_84 = tpu.memref_slice %arg2[%add3A, %dma_wait3A_82, %dma_wait3A_83] : memref<32x200x128xi32, #tpu.memory_space<hbm>> -> memref<1x200x128xi32, #tpu.memory_space<hbm>>
      %dma_wait3A_85 = tpu.memref_squeeze %dma_wait3A_84 : memref<1x200x128xi32, #tpu.memory_space<hbm>> -> memref<200x128xi32, #tpu.memory_space<hbm>>
      %dma_wait3A_86 = arith.constant 0 : i32
      %dma_wait3A_87 = arith.constant 0 : i32
      %dma_wait3A_88 = tpu.memref_slice %arg2[%add3A, %dma_wait3A_86, %dma_wait3A_87] : memref<32x200x128xi32, #tpu.memory_space<hbm>> -> memref<1x200x128xi32, #tpu.memory_space<hbm>>
      %dma_wait3A_89 = tpu.memref_squeeze %dma_wait3A_88 : memref<1x200x128xi32, #tpu.memory_space<hbm>> -> memref<200x128xi32, #tpu.memory_space<hbm>>
      tpu.wait_dma2 semaphore(%run_scoped3A : memref<!tpu.dma_semaphore, #tpu.memory_space<semaphore_mem>>) src(%dma_wait3A_89 : memref<200x128xi32, #tpu.memory_space<hbm>>) dst(%arg5 : memref<200x128xi32, #tpu.memory_space<vmem>>)
      tpu.yield
    }) : () -> ()
    %scan3A = arith.constant 0 : i32
    %scan3A_3 = arith.constant 0 : i32
    %scan3A_4 = arith.constant 200 : i32
    %scan3A_5 = arith.addi %scan3A_3, %scan3A_4 : i32
    %scan3A_6 = arith.constant 1 : i32
    scf.for %scan3A_74 = %scan3A_3 to %scan3A_5 step %scan3A_6  : i32 {
      %get3A = arith.constant 0 : i32
      %get3A_75 = tpu.memref_slice %arg5[%scan3A_74, %get3A] : memref<200x128xi32, #tpu.memory_space<vmem>> -> memref<1x128xi32, #tpu.memory_space<vmem>>
      %get3A_76 = tpu.memref_squeeze %get3A_75 : memref<1x128xi32, #tpu.memory_space<vmem>> -> memref<128xi32, #tpu.memory_space<vmem>>
      %get3A_77 = arith.constant 0 : index
      %get3A_78 = tpu.vector_load %get3A_76[%get3A_77] {strides = array<i32>} : memref<128xi32, #tpu.memory_space<vmem>>, vector<16xi32>,
      %min3A = arith.constant 3 : i32
      %min3A_79 = vector.broadcast %min3A : i32 to vector<16xi32>
      %min3A_80 = arith.minsi %get3A_78, %min3A_79 : vector<16xi32>
      %swap3A = arith.constant 0 : i32
      %swap3A_81 = tpu.memref_slice %arg5[%scan3A_74, %swap3A] : memref<200x128xi32, #tpu.memory_space<vmem>> -> memref<1x128xi32, #tpu.memory_space<vmem>>
      %swap3A_82 = tpu.memref_squeeze %swap3A_81 : memref<1x128xi32, #tpu.memory_space<vmem>> -> memref<128xi32, #tpu.memory_space<vmem>>
      %swap3A_83 = arith.constant 0 : index
      %swap3A_84 = tpu.vector_load %swap3A_82[%swap3A_83] {strides = array<i32>} : memref<128xi32, #tpu.memory_space<vmem>>, vector<16xi32>,
      tpu.vector_store %swap3A_82[%swap3A_83], %min3A_80 {strides = array<i32>} : memref<128xi32, #tpu.memory_space<vmem>>, vector<16xi32>,
      %get3A_85 = arith.constant 0 : i32
      %get3A_86 = tpu.memref_slice %arg5[%scan3A_74, %get3A_85] : memref<200x128xi32, #tpu.memory_space<vmem>> -> memref<1x128xi32, #tpu.memory_space<vmem>>
      %get3A_87 = tpu.memref_squeeze %get3A_86 : memref<1x128xi32, #tpu.memory_space<vmem>> -> memref<128xi32, #tpu.memory_space<vmem>>
      %get3A_88 = arith.constant 16 : index
      %get3A_89 = tpu.vector_load %get3A_87[%get3A_88] {strides = array<i32>} : memref<128xi32, #tpu.memory_space<vmem>>, vector<16xi32>,
      %min3A_90 = arith.constant 3 : i32
      %min3A_91 = vector.broadcast %min3A_90 : i32 to vector<16xi32>
      %min3A_92 = arith.minsi %get3A_89, %min3A_91 : vector<16xi32>
      %swap3A_93 = arith.constant 0 : i32
      %swap3A_94 = tpu.memref_slice %arg5[%scan3A_74, %swap3A_93] : memref<200x128xi32, #tpu.memory_space<vmem>> -> memref<1x128xi32, #tpu.memory_space<vmem>>
      %swap3A_95 = tpu.memref_squeeze %swap3A_94 : memref<1x128xi32, #tpu.memory_space<vmem>> -> memref<128xi32, #tpu.memory_space<vmem>>
      %swap3A_96 = arith.constant 16 : index
      %swap3A_97 = tpu.vector_load %swap3A_95[%swap3A_96] {strides = array<i32>} : memref<128xi32, #tpu.memory_space<vmem>>, vector<16xi32>,
      tpu.vector_store %swap3A_95[%swap3A_96], %min3A_92 {strides = array<i32>} : memref<128xi32, #tpu.memory_space<vmem>>, vector<16xi32>,
      %get3A_98 = arith.constant 0 : i32
      %get3A_99 = tpu.memref_slice %arg5[%scan3A_74, %get3A_98] : memref<200x128xi32, #tpu.memory_space<vmem>> -> memref<1x128xi32, #tpu.memory_space<vmem>>
      %get3A_100 = tpu.memref_squeeze %get3A_99 : memref<1x128xi32, #tpu.memory_space<vmem>> -> memref<128xi32, #tpu.memory_space<vmem>>
      %get3A_101 = arith.constant 32 : index
      %get3A_102 = tpu.vector_load %get3A_100[%get3A_101] {strides = array<i32>} : memref<128xi32, #tpu.memory_space<vmem>>, vector<16xi32>,
      %min3A_103 = arith.constant 3 : i32
      %min3A_104 = vector.broadcast %min3A_103 : i32 to vector<16xi32>
      %min3A_105 = arith.minsi %get3A_102, %min3A_104 : vector<16xi32>
      %swap3A_106 = arith.constant 0 : i32
      %swap3A_107 = tpu.memref_slice %arg5[%scan3A_74, %swap3A_106] : memref<200x128xi32, #tpu.memory_space<vmem>> -> memref<1x128xi32, #tpu.memory_space<vmem>>
      %swap3A_108 = tpu.memref_squeeze %swap3A_107 : memref<1x128xi32, #tpu.memory_space<vmem>> -> memref<128xi32, #tpu.memory_space<vmem>>
      %swap3A_109 = arith.constant 32 : index
      %swap3A_110 = tpu.vector_load %swap3A_108[%swap3A_109] {strides = array<i32>} : memref<128xi32, #tpu.memory_space<vmem>>, vector<16xi32>,
      tpu.vector_store %swap3A_108[%swap3A_109], %min3A_105 {strides = array<i32>} : memref<128xi32, #tpu.memory_space<vmem>>, vector<16xi32>,
      %get3A_111 = arith.constant 0 : i32
      %get3A_112 = tpu.memref_slice %arg5[%scan3A_74, %get3A_111] : memref<200x128xi32, #tpu.memory_space<vmem>> -> memref<1x128xi32, #tpu.memory_space<vmem>>
      %get3A_113 = tpu.memref_squeeze %get3A_112 : memref<1x128xi32, #tpu.memory_space<vmem>> -> memref<128xi32, #tpu.memory_space<vmem>>
      %get3A_114 = arith.constant 48 : index
      %get3A_115 = tpu.vector_load %get3A_113[%get3A_114] {strides = array<i32>} : memref<128xi32, #tpu.memory_space<vmem>>, vector<16xi32>,
      %min3A_116 = arith.constant 3 : i32
      %min3A_117 = vector.broadcast %min3A_116 : i32 to vector<16xi32>
      %min3A_118 = arith.minsi %get3A_115, %min3A_117 : vector<16xi32>
      %swap3A_119 = arith.constant 0 : i32
      %swap3A_120 = tpu.memref_slice %arg5[%scan3A_74, %swap3A_119] : memref<200x128xi32, #tpu.memory_space<vmem>> -> memref<1x128xi32, #tpu.memory_space<vmem>>
      %swap3A_121 = tpu.memref_squeeze %swap3A_120 : memref<1x128xi32, #tpu.memory_space<vmem>> -> memref<128xi32, #tpu.memory_space<vmem>>
      %swap3A_122 = arith.constant 48 : index
      %swap3A_123 = tpu.vector_load %swap3A_121[%swap3A_122] {strides = array<i32>} : memref<128xi32, #tpu.memory_space<vmem>>, vector<16xi32>,
      tpu.vector_store %swap3A_121[%swap3A_122], %min3A_118 {strides = array<i32>} : memref<128xi32, #tpu.memory_space<vmem>>, vector<16xi32>,
      %get3A_124 = arith.constant 0 : i32
      %get3A_125 = tpu.memref_slice %arg5[%scan3A_74, %get3A_124] : memref<200x128xi32, #tpu.memory_space<vmem>> -> memref<1x128xi32, #tpu.memory_space<vmem>>
      %get3A_126 = tpu.memref_squeeze %get3A_125 : memref<1x128xi32, #tpu.memory_space<vmem>> -> memref<128xi32, #tpu.memory_space<vmem>>
      %get3A_127 = arith.constant 64 : index
      %get3A_128 = tpu.vector_load %get3A_126[%get3A_127] {strides = array<i32>} : memref<128xi32, #tpu.memory_space<vmem>>, vector<16xi32>,
      %min3A_129 = arith.constant 3 : i32
      %min3A_130 = vector.broadcast %min3A_129 : i32 to vector<16xi32>
      %min3A_131 = arith.minsi %get3A_128, %min3A_130 : vector<16xi32>
      %swap3A_132 = arith.constant 0 : i32
      %swap3A_133 = tpu.memref_slice %arg5[%scan3A_74, %swap3A_132] : memref<200x128xi32, #tpu.memory_space<vmem>> -> memref<1x128xi32, #tpu.memory_space<vmem>>
      %swap3A_134 = tpu.memref_squeeze %swap3A_133 : memref<1x128xi32, #tpu.memory_space<vmem>> -> memref<128xi32, #tpu.memory_space<vmem>>
      %swap3A_135 = arith.constant 64 : index
      %swap3A_136 = tpu.vector_load %swap3A_134[%swap3A_135] {strides = array<i32>} : memref<128xi32, #tpu.memory_space<vmem>>, vector<16xi32>,
      tpu.vector_store %swap3A_134[%swap3A_135], %min3A_131 {strides = array<i32>} : memref<128xi32, #tpu.memory_space<vmem>>, vector<16xi32>,
      %get3A_137 = arith.constant 0 : i32
      %get3A_138 = tpu.memref_slice %arg5[%scan3A_74, %get3A_137] : memref<200x128xi32, #tpu.memory_space<vmem>> -> memref<1x128xi32, #tpu.memory_space<vmem>>
      %get3A_139 = tpu.memref_squeeze %get3A_138 : memref<1x128xi32, #tpu.memory_space<vmem>> -> memref<128xi32, #tpu.memory_space<vmem>>
      %get3A_140 = arith.constant 80 : index
      %get3A_141 = tpu.vector_load %get3A_139[%get3A_140] {strides = array<i32>} : memref<128xi32, #tpu.memory_space<vmem>>, vector<16xi32>,
      %min3A_142 = arith.constant 3 : i32
      %min3A_143 = vector.broadcast %min3A_142 : i32 to vector<16xi32>
      %min3A_144 = arith.minsi %get3A_141, %min3A_143 : vector<16xi32>
      %swap3A_145 = arith.constant 0 : i32
      %swap3A_146 = tpu.memref_slice %arg5[%scan3A_74, %swap3A_145] : memref<200x128xi32, #tpu.memory_space<vmem>> -> memref<1x128xi32, #tpu.memory_space<vmem>>
      %swap3A_147 = tpu.memref_squeeze %swap3A_146 : memref<1x128xi32, #tpu.memory_space<vmem>> -> memref<128xi32, #tpu.memory_space<vmem>>
      %swap3A_148 = arith.constant 80 : index
      %swap3A_149 = tpu.vector_load %swap3A_147[%swap3A_148] {strides = array<i32>} : memref<128xi32, #tpu.memory_space<vmem>>, vector<16xi32>,
      tpu.vector_store %swap3A_147[%swap3A_148], %min3A_144 {strides = array<i32>} : memref<128xi32, #tpu.memory_space<vmem>>, vector<16xi32>,
      %get3A_150 = arith.constant 0 : i32
      %get3A_151 = tpu.memref_slice %arg5[%scan3A_74, %get3A_150] : memref<200x128xi32, #tpu.memory_space<vmem>> -> memref<1x128xi32, #tpu.memory_space<vmem>>
      %get3A_152 = tpu.memref_squeeze %get3A_151 : memref<1x128xi32, #tpu.memory_space<vmem>> -> memref<128xi32, #tpu.memory_space<vmem>>
      %get3A_153 = arith.constant 96 : index
      %get3A_154 = tpu.vector_load %get3A_152[%get3A_153] {strides = array<i32>} : memref<128xi32, #tpu.memory_space<vmem>>, vector<16xi32>,
      %min3A_155 = arith.constant 3 : i32
      %min3A_156 = vector.broadcast %min3A_155 : i32 to vector<16xi32>
      %min3A_157 = arith.minsi %get3A_154, %min3A_156 : vector<16xi32>
      %swap3A_158 = arith.constant 0 : i32
      %swap3A_159 = tpu.memref_slice %arg5[%scan3A_74, %swap3A_158] : memref<200x128xi32, #tpu.memory_space<vmem>> -> memref<1x128xi32, #tpu.memory_space<vmem>>
      %swap3A_160 = tpu.memref_squeeze %swap3A_159 : memref<1x128xi32, #tpu.memory_space<vmem>> -> memref<128xi32, #tpu.memory_space<vmem>>
      %swap3A_161 = arith.constant 96 : index
      %swap3A_162 = tpu.vector_load %swap3A_160[%swap3A_161] {strides = array<i32>} : memref<128xi32, #tpu.memory_space<vmem>>, vector<16xi32>,
      tpu.vector_store %swap3A_160[%swap3A_161], %min3A_157 {strides = array<i32>} : memref<128xi32, #tpu.memory_space<vmem>>, vector<16xi32>,
      %get3A_163 = arith.constant 0 : i32
      %get3A_164 = tpu.memref_slice %arg5[%scan3A_74, %get3A_163] : memref<200x128xi32, #tpu.memory_space<vmem>> -> memref<1x128xi32, #tpu.memory_space<vmem>>
      %get3A_165 = tpu.memref_squeeze %get3A_164 : memref<1x128xi32, #tpu.memory_space<vmem>> -> memref<128xi32, #tpu.memory_space<vmem>>
      %get3A_166 = arith.constant 112 : index
      %get3A_167 = tpu.vector_load %get3A_165[%get3A_166] {strides = array<i32>} : memref<128xi32, #tpu.memory_space<vmem>>, vector<16xi32>,
      %min3A_168 = arith.constant 3 : i32
      %min3A_169 = vector.broadcast %min3A_168 : i32 to vector<16xi32>
      %min3A_170 = arith.minsi %get3A_167, %min3A_169 : vector<16xi32>
      %swap3A_171 = arith.constant 0 : i32
      %swap3A_172 = tpu.memref_slice %arg5[%scan3A_74, %swap3A_171] : memref<200x128xi32, #tpu.memory_space<vmem>> -> memref<1x128xi32, #tpu.memory_space<vmem>>
      %swap3A_173 = tpu.memref_squeeze %swap3A_172 : memref<1x128xi32, #tpu.memory_space<vmem>> -> memref<128xi32, #tpu.memory_space<vmem>>
      %swap3A_174 = arith.constant 112 : index
      %swap3A_175 = tpu.vector_load %swap3A_173[%swap3A_174] {strides = array<i32>} : memref<128xi32, #tpu.memory_space<vmem>>, vector<16xi32>,
      tpu.vector_store %swap3A_173[%swap3A_174], %min3A_170 {strides = array<i32>} : memref<128xi32, #tpu.memory_space<vmem>>, vector<16xi32>,
    }
    %scan3A_7 = arith.constant 200 : i32
    %scan3A_8 = arith.constant 0 : i32
    %scan3A_9 = arith.constant 0 : i32
    %scan3A_10 = arith.constant 100 : i32
    %scan3A_11 = arith.addi %scan3A_9, %scan3A_10 : i32
    %scan3A_12 = arith.constant 1 : i32
    scf.for %scan3A_74 = %scan3A_9 to %scan3A_11 step %scan3A_12  : i32 {
      %iota3A = tpu.iota {dimensions = array<i32: 0>} : vector<16xi32>
      %mul3A_75 = arith.constant 2 : i32
      %mul3A_76 = arith.muli %mul3A_75, %scan3A_74 : i32
      %mul3A_77 = arith.constant 2 : i32
      %mul3A_78 = arith.muli %mul3A_77, %scan3A_74 : i32
      %add3A_79 = arith.constant 0 : i32
      %add3A_80 = arith.addi %mul3A_78, %add3A_79 : i32
      %mul3A_81 = arith.constant 2 : i32
      %mul3A_82 = vector.broadcast %mul3A_81 : i32 to vector<16xi32>
      %mul3A_83 = arith.muli %iota3A, %mul3A_82 : vector<16xi32>
      %add3A_84 = arith.constant 0 : i32
      %add3A_85 = vector.broadcast %add3A_84 : i32 to vector<16xi32>
      %add3A_86 = arith.addi %add3A_85, %mul3A_83 : vector<16xi32>
      %add3A_87 = arith.constant 0 : i32
      %add3A_88 = vector.broadcast %add3A_87 : i32 to vector<16xi32>
      %add3A_89 = arith.addi %add3A_86, %add3A_88 : vector<16xi32>
      %gather3A = arith.constant 0 : i32
      %gather3A_90 = tpu.memref_slice %arg5[%add3A_80, %gather3A] : memref<200x128xi32, #tpu.memory_space<vmem>> -> memref<1x128xi32, #tpu.memory_space<vmem>>
      %gather3A_91 = tpu.memref_squeeze %gather3A_90 : memref<1x128xi32, #tpu.memory_space<vmem>> -> memref<128xi32, #tpu.memory_space<vmem>>
      %gather3A_92 = tpu.vector_load_idx %gather3A_91[%add3A_89] : memref<128xi32, #tpu.memory_space<vmem>>[vector<16xi32>], vector<16xi32>,
      %mul3A_93 = arith.constant 2 : i32
      %mul3A_94 = vector.broadcast %mul3A_93 : i32 to vector<16xi32>
      %mul3A_95 = arith.muli %iota3A, %mul3A_94 : vector<16xi32>
      %add3A_96 = arith.constant 0 : i32
      %add3A_97 = vector.broadcast %add3A_96 : i32 to vector<16xi32>
      %add3A_98 = arith.addi %add3A_97, %mul3A_95 : vector<16xi32>
      %add3A_99 = arith.constant 1 : i32
      %add3A_100 = vector.broadcast %add3A_99 : i32 to vector<16xi32>
      %add3A_101 = arith.addi %add3A_98, %add3A_100 : vector<16xi32>
      %gather3A_102 = arith.constant 0 : i32
      %gather3A_103 = tpu.memref_slice %arg5[%add3A_80, %gather3A_102] : memref<200x128xi32, #tpu.memory_space<vmem>> -> memref<1x128xi32, #tpu.memory_space<vmem>>
      %gather3A_104 = tpu.memref_squeeze %gather3A_103 : memref<1x128xi32, #tpu.memory_space<vmem>> -> memref<128xi32, #tpu.memory_space<vmem>>
      %gather3A_105 = tpu.vector_load_idx %gather3A_104[%add3A_101] : memref<128xi32, #tpu.memory_space<vmem>>[vector<16xi32>], vector<16xi32>,
      %mul3A_106 = arith.constant 4 : i32
      %mul3A_107 = vector.broadcast %mul3A_106 : i32 to vector<16xi32>
      %mul3A_108 = arith.muli %gather3A_92, %mul3A_107 : vector<16xi32>
      %add3A_109 = arith.addi %mul3A_108, %gather3A_105 : vector<16xi32>
      %swap3A = arith.constant 0 : i32
      %swap3A_110 = tpu.memref_slice %arg5[%mul3A_76, %swap3A] : memref<200x128xi32, #tpu.memory_space<vmem>> -> memref<1x128xi32, #tpu.memory_space<vmem>>
      %swap3A_111 = tpu.memref_squeeze %swap3A_110 : memref<1x128xi32, #tpu.memory_space<vmem>> -> memref<128xi32, #tpu.memory_space<vmem>>
      %swap3A_112 = arith.constant 0 : index
      %swap3A_113 = tpu.vector_load %swap3A_111[%swap3A_112] {strides = array<i32>} : memref<128xi32, #tpu.memory_space<vmem>>, vector<16xi32>,
      tpu.vector_store %swap3A_111[%swap3A_112], %add3A_109 {strides = array<i32>} : memref<128xi32, #tpu.memory_space<vmem>>, vector<16xi32>,
      %mul3A_114 = arith.constant 2 : i32
      %mul3A_115 = arith.muli %mul3A_114, %scan3A_74 : i32
      %add3A_116 = arith.constant 0 : i32
      %add3A_117 = arith.addi %mul3A_115, %add3A_116 : i32
      %mul3A_118 = arith.constant 2 : i32
      %mul3A_119 = vector.broadcast %mul3A_118 : i32 to vector<16xi32>
      %mul3A_120 = arith.muli %iota3A, %mul3A_119 : vector<16xi32>
      %add3A_121 = arith.constant 32 : i32
      %add3A_122 = vector.broadcast %add3A_121 : i32 to vector<16xi32>
      %add3A_123 = arith.addi %add3A_122, %mul3A_120 : vector<16xi32>
      %add3A_124 = arith.constant 0 : i32
      %add3A_125 = vector.broadcast %add3A_124 : i32 to vector<16xi32>
      %add3A_126 = arith.addi %add3A_123, %add3A_125 : vector<16xi32>
      %gather3A_127 = arith.constant 0 : i32
      %gather3A_128 = tpu.memref_slice %arg5[%add3A_117, %gather3A_127] : memref<200x128xi32, #tpu.memory_space<vmem>> -> memref<1x128xi32, #tpu.memory_space<vmem>>
      %gather3A_129 = tpu.memref_squeeze %gather3A_128 : memref<1x128xi32, #tpu.memory_space<vmem>> -> memref<128xi32, #tpu.memory_space<vmem>>
      %gather3A_130 = tpu.vector_load_idx %gather3A_129[%add3A_126] : memref<128xi32, #tpu.memory_space<vmem>>[vector<16xi32>], vector<16xi32>,
      %mul3A_131 = arith.constant 2 : i32
      %mul3A_132 = vector.broadcast %mul3A_131 : i32 to vector<16xi32>
      %mul3A_133 = arith.muli %iota3A, %mul3A_132 : vector<16xi32>
      %add3A_134 = arith.constant 32 : i32
      %add3A_135 = vector.broadcast %add3A_134 : i32 to vector<16xi32>
      %add3A_136 = arith.addi %add3A_135, %mul3A_133 : vector<16xi32>
      %add3A_137 = arith.constant 1 : i32
      %add3A_138 = vector.broadcast %add3A_137 : i32 to vector<16xi32>
      %add3A_139 = arith.addi %add3A_136, %add3A_138 : vector<16xi32>
      %gather3A_140 = arith.constant 0 : i32
      %gather3A_141 = tpu.memref_slice %arg5[%add3A_117, %gather3A_140] : memref<200x128xi32, #tpu.memory_space<vmem>> -> memref<1x128xi32, #tpu.memory_space<vmem>>
      %gather3A_142 = tpu.memref_squeeze %gather3A_141 : memref<1x128xi32, #tpu.memory_space<vmem>> -> memref<128xi32, #tpu.memory_space<vmem>>
      %gather3A_143 = tpu.vector_load_idx %gather3A_142[%add3A_139] : memref<128xi32, #tpu.memory_space<vmem>>[vector<16xi32>], vector<16xi32>,
      %mul3A_144 = arith.constant 4 : i32
      %mul3A_145 = vector.broadcast %mul3A_144 : i32 to vector<16xi32>
      %mul3A_146 = arith.muli %gather3A_130, %mul3A_145 : vector<16xi32>
      %add3A_147 = arith.addi %mul3A_146, %gather3A_143 : vector<16xi32>
      %swap3A_148 = arith.constant 0 : i32
      %swap3A_149 = tpu.memref_slice %arg5[%mul3A_76, %swap3A_148] : memref<200x128xi32, #tpu.memory_space<vmem>> -> memref<1x128xi32, #tpu.memory_space<vmem>>
      %swap3A_150 = tpu.memref_squeeze %swap3A_149 : memref<1x128xi32, #tpu.memory_space<vmem>> -> memref<128xi32, #tpu.memory_space<vmem>>
      %swap3A_151 = arith.constant 16 : index
      %swap3A_152 = tpu.vector_load %swap3A_150[%swap3A_151] {strides = array<i32>} : memref<128xi32, #tpu.memory_space<vmem>>, vector<16xi32>,
      tpu.vector_store %swap3A_150[%swap3A_151], %add3A_147 {strides = array<i32>} : memref<128xi32, #tpu.memory_space<vmem>>, vector<16xi32>,
      %mul3A_153 = arith.constant 2 : i32
      %mul3A_154 = arith.muli %mul3A_153, %scan3A_74 : i32
      %add3A_155 = arith.constant 0 : i32
      %add3A_156 = arith.addi %mul3A_154, %add3A_155 : i32
      %mul3A_157 = arith.constant 2 : i32
      %mul3A_158 = vector.broadcast %mul3A_157 : i32 to vector<16xi32>
      %mul3A_159 = arith.muli %iota3A, %mul3A_158 : vector<16xi32>
      %add3A_160 = arith.constant 64 : i32
      %add3A_161 = vector.broadcast %add3A_160 : i32 to vector<16xi32>
      %add3A_162 = arith.addi %add3A_161, %mul3A_159 : vector<16xi32>
      %add3A_163 = arith.constant 0 : i32
      %add3A_164 = vector.broadcast %add3A_163 : i32 to vector<16xi32>
      %add3A_165 = arith.addi %add3A_162, %add3A_164 : vector<16xi32>
      %gather3A_166 = arith.constant 0 : i32
      %gather3A_167 = tpu.memref_slice %arg5[%add3A_156, %gather3A_166] : memref<200x128xi32, #tpu.memory_space<vmem>> -> memref<1x128xi32, #tpu.memory_space<vmem>>
      %gather3A_168 = tpu.memref_squeeze %gather3A_167 : memref<1x128xi32, #tpu.memory_space<vmem>> -> memref<128xi32, #tpu.memory_space<vmem>>
      %gather3A_169 = tpu.vector_load_idx %gather3A_168[%add3A_165] : memref<128xi32, #tpu.memory_space<vmem>>[vector<16xi32>], vector<16xi32>,
      %mul3A_170 = arith.constant 2 : i32
      %mul3A_171 = vector.broadcast %mul3A_170 : i32 to vector<16xi32>
      %mul3A_172 = arith.muli %iota3A, %mul3A_171 : vector<16xi32>
      %add3A_173 = arith.constant 64 : i32
      %add3A_174 = vector.broadcast %add3A_173 : i32 to vector<16xi32>
      %add3A_175 = arith.addi %add3A_174, %mul3A_172 : vector<16xi32>
      %add3A_176 = arith.constant 1 : i32
      %add3A_177 = vector.broadcast %add3A_176 : i32 to vector<16xi32>
      %add3A_178 = arith.addi %add3A_175, %add3A_177 : vector<16xi32>
      %gather3A_179 = arith.constant 0 : i32
      %gather3A_180 = tpu.memref_slice %arg5[%add3A_156, %gather3A_179] : memref<200x128xi32, #tpu.memory_space<vmem>> -> memref<1x128xi32, #tpu.memory_space<vmem>>
      %gather3A_181 = tpu.memref_squeeze %gather3A_180 : memref<1x128xi32, #tpu.memory_space<vmem>> -> memref<128xi32, #tpu.memory_space<vmem>>
      %gather3A_182 = tpu.vector_load_idx %gather3A_181[%add3A_178] : memref<128xi32, #tpu.memory_space<vmem>>[vector<16xi32>], vector<16xi32>,
      %mul3A_183 = arith.constant 4 : i32
      %mul3A_184 = vector.broadcast %mul3A_183 : i32 to vector<16xi32>
      %mul3A_185 = arith.muli %gather3A_169, %mul3A_184 : vector<16xi32>
      %add3A_186 = arith.addi %mul3A_185, %gather3A_182 : vector<16xi32>
      %swap3A_187 = arith.constant 0 : i32
      %swap3A_188 = tpu.memref_slice %arg5[%mul3A_76, %swap3A_187] : memref<200x128xi32, #tpu.memory_space<vmem>> -> memref<1x128xi32, #tpu.memory_space<vmem>>
      %swap3A_189 = tpu.memref_squeeze %swap3A_188 : memref<1x128xi32, #tpu.memory_space<vmem>> -> memref<128xi32, #tpu.memory_space<vmem>>
      %swap3A_190 = arith.constant 32 : index
      %swap3A_191 = tpu.vector_load %swap3A_189[%swap3A_190] {strides = array<i32>} : memref<128xi32, #tpu.memory_space<vmem>>, vector<16xi32>,
      tpu.vector_store %swap3A_189[%swap3A_190], %add3A_186 {strides = array<i32>} : memref<128xi32, #tpu.memory_space<vmem>>, vector<16xi32>,
      %mul3A_192 = arith.constant 2 : i32
      %mul3A_193 = arith.muli %mul3A_192, %scan3A_74 : i32
      %add3A_194 = arith.constant 0 : i32
      %add3A_195 = arith.addi %mul3A_193, %add3A_194 : i32
      %mul3A_196 = arith.constant 2 : i32
      %mul3A_197 = vector.broadcast %mul3A_196 : i32 to vector<16xi32>
      %mul3A_198 = arith.muli %iota3A, %mul3A_197 : vector<16xi32>
      %add3A_199 = arith.constant 96 : i32
      %add3A_200 = vector.broadcast %add3A_199 : i32 to vector<16xi32>
      %add3A_201 = arith.addi %add3A_200, %mul3A_198 : vector<16xi32>
      %add3A_202 = arith.constant 0 : i32
      %add3A_203 = vector.broadcast %add3A_202 : i32 to vector<16xi32>
      %add3A_204 = arith.addi %add3A_201, %add3A_203 : vector<16xi32>
      %gather3A_205 = arith.constant 0 : i32
      %gather3A_206 = tpu.memref_slice %arg5[%add3A_195, %gather3A_205] : memref<200x128xi32, #tpu.memory_space<vmem>> -> memref<1x128xi32, #tpu.memory_space<vmem>>
      %gather3A_207 = tpu.memref_squeeze %gather3A_206 : memref<1x128xi32, #tpu.memory_space<vmem>> -> memref<128xi32, #tpu.memory_space<vmem>>
      %gather3A_208 = tpu.vector_load_idx %gather3A_207[%add3A_204] : memref<128xi32, #tpu.memory_space<vmem>>[vector<16xi32>], vector<16xi32>,
      %mul3A_209 = arith.constant 2 : i32
      %mul3A_210 = vector.broadcast %mul3A_209 : i32 to vector<16xi32>
      %mul3A_211 = arith.muli %iota3A, %mul3A_210 : vector<16xi32>
      %add3A_212 = arith.constant 96 : i32
      %add3A_213 = vector.broadcast %add3A_212 : i32 to vector<16xi32>
      %add3A_214 = arith.addi %add3A_213, %mul3A_211 : vector<16xi32>
      %add3A_215 = arith.constant 1 : i32
      %add3A_216 = vector.broadcast %add3A_215 : i32 to vector<16xi32>
      %add3A_217 = arith.addi %add3A_214, %add3A_216 : vector<16xi32>
      %gather3A_218 = arith.constant 0 : i32
      %gather3A_219 = tpu.memref_slice %arg5[%add3A_195, %gather3A_218] : memref<200x128xi32, #tpu.memory_space<vmem>> -> memref<1x128xi32, #tpu.memory_space<vmem>>
      %gather3A_220 = tpu.memref_squeeze %gather3A_219 : memref<1x128xi32, #tpu.memory_space<vmem>> -> memref<128xi32, #tpu.memory_space<vmem>>
      %gather3A_221 = tpu.vector_load_idx %gather3A_220[%add3A_217] : memref<128xi32, #tpu.memory_space<vmem>>[vector<16xi32>], vector<16xi32>,
      %mul3A_222 = arith.constant 4 : i32
      %mul3A_223 = vector.broadcast %mul3A_222 : i32 to vector<16xi32>
      %mul3A_224 = arith.muli %gather3A_208, %mul3A_223 : vector<16xi32>
      %add3A_225 = arith.addi %mul3A_224, %gather3A_221 : vector<16xi32>
      %swap3A_226 = arith.constant 0 : i32
      %swap3A_227 = tpu.memref_slice %arg5[%mul3A_76, %swap3A_226] : memref<200x128xi32, #tpu.memory_space<vmem>> -> memref<1x128xi32, #tpu.memory_space<vmem>>
      %swap3A_228 = tpu.memref_squeeze %swap3A_227 : memref<1x128xi32, #tpu.memory_space<vmem>> -> memref<128xi32, #tpu.memory_space<vmem>>
      %swap3A_229 = arith.constant 48 : index
      %swap3A_230 = tpu.vector_load %swap3A_228[%swap3A_229] {strides = array<i32>} : memref<128xi32, #tpu.memory_space<vmem>>, vector<16xi32>,
      tpu.vector_store %swap3A_228[%swap3A_229], %add3A_225 {strides = array<i32>} : memref<128xi32, #tpu.memory_space<vmem>>, vector<16xi32>,
      %mul3A_231 = arith.constant 2 : i32
      %mul3A_232 = arith.muli %mul3A_231, %scan3A_74 : i32
      %add3A_233 = arith.constant 1 : i32
      %add3A_234 = arith.addi %mul3A_232, %add3A_233 : i32
      %mul3A_235 = arith.constant 2 : i32
      %mul3A_236 = vector.broadcast %mul3A_235 : i32 to vector<16xi32>
      %mul3A_237 = arith.muli %iota3A, %mul3A_236 : vector<16xi32>
      %add3A_238 = arith.constant 0 : i32
      %add3A_239 = vector.broadcast %add3A_238 : i32 to vector<16xi32>
      %add3A_240 = arith.addi %add3A_239, %mul3A_237 : vector<16xi32>
      %add3A_241 = arith.constant 0 : i32
      %add3A_242 = vector.broadcast %add3A_241 : i32 to vector<16xi32>
      %add3A_243 = arith.addi %add3A_240, %add3A_242 : vector<16xi32>
      %gather3A_244 = arith.constant 0 : i32
      %gather3A_245 = tpu.memref_slice %arg5[%add3A_234, %gather3A_244] : memref<200x128xi32, #tpu.memory_space<vmem>> -> memref<1x128xi32, #tpu.memory_space<vmem>>
      %gather3A_246 = tpu.memref_squeeze %gather3A_245 : memref<1x128xi32, #tpu.memory_space<vmem>> -> memref<128xi32, #tpu.memory_space<vmem>>
      %gather3A_247 = tpu.vector_load_idx %gather3A_246[%add3A_243] : memref<128xi32, #tpu.memory_space<vmem>>[vector<16xi32>], vector<16xi32>,
      %mul3A_248 = arith.constant 2 : i32
      %mul3A_249 = vector.broadcast %mul3A_248 : i32 to vector<16xi32>
      %mul3A_250 = arith.muli %iota3A, %mul3A_249 : vector<16xi32>
      %add3A_251 = arith.constant 0 : i32
      %add3A_252 = vector.broadcast %add3A_251 : i32 to vector<16xi32>
      %add3A_253 = arith.addi %add3A_252, %mul3A_250 : vector<16xi32>
      %add3A_254 = arith.constant 1 : i32
      %add3A_255 = vector.broadcast %add3A_254 : i32 to vector<16xi32>
      %add3A_256 = arith.addi %add3A_253, %add3A_255 : vector<16xi32>
      %gather3A_257 = arith.constant 0 : i32
      %gather3A_258 = tpu.memref_slice %arg5[%add3A_234, %gather3A_257] : memref<200x128xi32, #tpu.memory_space<vmem>> -> memref<1x128xi32, #tpu.memory_space<vmem>>
      %gather3A_259 = tpu.memref_squeeze %gather3A_258 : memref<1x128xi32, #tpu.memory_space<vmem>> -> memref<128xi32, #tpu.memory_space<vmem>>
      %gather3A_260 = tpu.vector_load_idx %gather3A_259[%add3A_256] : memref<128xi32, #tpu.memory_space<vmem>>[vector<16xi32>], vector<16xi32>,
      %mul3A_261 = arith.constant 4 : i32
      %mul3A_262 = vector.broadcast %mul3A_261 : i32 to vector<16xi32>
      %mul3A_263 = arith.muli %gather3A_247, %mul3A_262 : vector<16xi32>
      %add3A_264 = arith.addi %mul3A_263, %gather3A_260 : vector<16xi32>
      %swap3A_265 = arith.constant 0 : i32
      %swap3A_266 = tpu.memref_slice %arg5[%mul3A_76, %swap3A_265] : memref<200x128xi32, #tpu.memory_space<vmem>> -> memref<1x128xi32, #tpu.memory_space<vmem>>
      %swap3A_267 = tpu.memref_squeeze %swap3A_266 : memref<1x128xi32, #tpu.memory_space<vmem>> -> memref<128xi32, #tpu.memory_space<vmem>>
      %swap3A_268 = arith.constant 64 : index
      %swap3A_269 = tpu.vector_load %swap3A_267[%swap3A_268] {strides = array<i32>} : memref<128xi32, #tpu.memory_space<vmem>>, vector<16xi32>,
      tpu.vector_store %swap3A_267[%swap3A_268], %add3A_264 {strides = array<i32>} : memref<128xi32, #tpu.memory_space<vmem>>, vector<16xi32>,
      %mul3A_270 = arith.constant 2 : i32
      %mul3A_271 = arith.muli %mul3A_270, %scan3A_74 : i32
      %add3A_272 = arith.constant 1 : i32
      %add3A_273 = arith.addi %mul3A_271, %add3A_272 : i32
      %mul3A_274 = arith.constant 2 : i32
      %mul3A_275 = vector.broadcast %mul3A_274 : i32 to vector<16xi32>
      %mul3A_276 = arith.muli %iota3A, %mul3A_275 : vector<16xi32>
      %add3A_277 = arith.constant 32 : i32
      %add3A_278 = vector.broadcast %add3A_277 : i32 to vector<16xi32>
      %add3A_279 = arith.addi %add3A_278, %mul3A_276 : vector<16xi32>
      %add3A_280 = arith.constant 0 : i32
      %add3A_281 = vector.broadcast %add3A_280 : i32 to vector<16xi32>
      %add3A_282 = arith.addi %add3A_279, %add3A_281 : vector<16xi32>
      %gather3A_283 = arith.constant 0 : i32
      %gather3A_284 = tpu.memref_slice %arg5[%add3A_273, %gather3A_283] : memref<200x128xi32, #tpu.memory_space<vmem>> -> memref<1x128xi32, #tpu.memory_space<vmem>>
      %gather3A_285 = tpu.memref_squeeze %gather3A_284 : memref<1x128xi32, #tpu.memory_space<vmem>> -> memref<128xi32, #tpu.memory_space<vmem>>
      %gather3A_286 = tpu.vector_load_idx %gather3A_285[%add3A_282] : memref<128xi32, #tpu.memory_space<vmem>>[vector<16xi32>], vector<16xi32>,
      %mul3A_287 = arith.constant 2 : i32
      %mul3A_288 = vector.broadcast %mul3A_287 : i32 to vector<16xi32>
      %mul3A_289 = arith.muli %iota3A, %mul3A_288 : vector<16xi32>
      %add3A_290 = arith.constant 32 : i32
      %add3A_291 = vector.broadcast %add3A_290 : i32 to vector<16xi32>
      %add3A_292 = arith.addi %add3A_291, %mul3A_289 : vector<16xi32>
      %add3A_293 = arith.constant 1 : i32
      %add3A_294 = vector.broadcast %add3A_293 : i32 to vector<16xi32>
      %add3A_295 = arith.addi %add3A_292, %add3A_294 : vector<16xi32>
      %gather3A_296 = arith.constant 0 : i32
      %gather3A_297 = tpu.memref_slice %arg5[%add3A_273, %gather3A_296] : memref<200x128xi32, #tpu.memory_space<vmem>> -> memref<1x128xi32, #tpu.memory_space<vmem>>
      %gather3A_298 = tpu.memref_squeeze %gather3A_297 : memref<1x128xi32, #tpu.memory_space<vmem>> -> memref<128xi32, #tpu.memory_space<vmem>>
      %gather3A_299 = tpu.vector_load_idx %gather3A_298[%add3A_295] : memref<128xi32, #tpu.memory_space<vmem>>[vector<16xi32>], vector<16xi32>,
      %mul3A_300 = arith.constant 4 : i32
      %mul3A_301 = vector.broadcast %mul3A_300 : i32 to vector<16xi32>
      %mul3A_302 = arith.muli %gather3A_286, %mul3A_301 : vector<16xi32>
      %add3A_303 = arith.addi %mul3A_302, %gather3A_299 : vector<16xi32>
      %swap3A_304 = arith.constant 0 : i32
      %swap3A_305 = tpu.memref_slice %arg5[%mul3A_76, %swap3A_304] : memref<200x128xi32, #tpu.memory_space<vmem>> -> memref<1x128xi32, #tpu.memory_space<vmem>>
      %swap3A_306 = tpu.memref_squeeze %swap3A_305 : memref<1x128xi32, #tpu.memory_space<vmem>> -> memref<128xi32, #tpu.memory_space<vmem>>
      %swap3A_307 = arith.constant 80 : index
      %swap3A_308 = tpu.vector_load %swap3A_306[%swap3A_307] {strides = array<i32>} : memref<128xi32, #tpu.memory_space<vmem>>, vector<16xi32>,
      tpu.vector_store %swap3A_306[%swap3A_307], %add3A_303 {strides = array<i32>} : memref<128xi32, #tpu.memory_space<vmem>>, vector<16xi32>,
      %mul3A_309 = arith.constant 2 : i32
      %mul3A_310 = arith.muli %mul3A_309, %scan3A_74 : i32
      %add3A_311 = arith.constant 1 : i32
      %add3A_312 = arith.addi %mul3A_310, %add3A_311 : i32
      %mul3A_313 = arith.constant 2 : i32
      %mul3A_314 = vector.broadcast %mul3A_313 : i32 to vector<16xi32>
      %mul3A_315 = arith.muli %iota3A, %mul3A_314 : vector<16xi32>
      %add3A_316 = arith.constant 64 : i32
      %add3A_317 = vector.broadcast %add3A_316 : i32 to vector<16xi32>
      %add3A_318 = arith.addi %add3A_317, %mul3A_315 : vector<16xi32>
      %add3A_319 = arith.constant 0 : i32
      %add3A_320 = vector.broadcast %add3A_319 : i32 to vector<16xi32>
      %add3A_321 = arith.addi %add3A_318, %add3A_320 : vector<16xi32>
      %gather3A_322 = arith.constant 0 : i32
      %gather3A_323 = tpu.memref_slice %arg5[%add3A_312, %gather3A_322] : memref<200x128xi32, #tpu.memory_space<vmem>> -> memref<1x128xi32, #tpu.memory_space<vmem>>
      %gather3A_324 = tpu.memref_squeeze %gather3A_323 : memref<1x128xi32, #tpu.memory_space<vmem>> -> memref<128xi32, #tpu.memory_space<vmem>>
      %gather3A_325 = tpu.vector_load_idx %gather3A_324[%add3A_321] : memref<128xi32, #tpu.memory_space<vmem>>[vector<16xi32>], vector<16xi32>,
      %mul3A_326 = arith.constant 2 : i32
      %mul3A_327 = vector.broadcast %mul3A_326 : i32 to vector<16xi32>
      %mul3A_328 = arith.muli %iota3A, %mul3A_327 : vector<16xi32>
      %add3A_329 = arith.constant 64 : i32
      %add3A_330 = vector.broadcast %add3A_329 : i32 to vector<16xi32>
      %add3A_331 = arith.addi %add3A_330, %mul3A_328 : vector<16xi32>
      %add3A_332 = arith.constant 1 : i32
      %add3A_333 = vector.broadcast %add3A_332 : i32 to vector<16xi32>
      %add3A_334 = arith.addi %add3A_331, %add3A_333 : vector<16xi32>
      %gather3A_335 = arith.constant 0 : i32
      %gather3A_336 = tpu.memref_slice %arg5[%add3A_312, %gather3A_335] : memref<200x128xi32, #tpu.memory_space<vmem>> -> memref<1x128xi32, #tpu.memory_space<vmem>>
      %gather3A_337 = tpu.memref_squeeze %gather3A_336 : memref<1x128xi32, #tpu.memory_space<vmem>> -> memref<128xi32, #tpu.memory_space<vmem>>
      %gather3A_338 = tpu.vector_load_idx %gather3A_337[%add3A_334] : memref<128xi32, #tpu.memory_space<vmem>>[vector<16xi32>], vector<16xi32>,
      %mul3A_339 = arith.constant 4 : i32
      %mul3A_340 = vector.broadcast %mul3A_339 : i32 to vector<16xi32>
      %mul3A_341 = arith.muli %gather3A_325, %mul3A_340 : vector<16xi32>
      %add3A_342 = arith.addi %mul3A_341, %gather3A_338 : vector<16xi32>
      %swap3A_343 = arith.constant 0 : i32
      %swap3A_344 = tpu.memref_slice %arg5[%mul3A_76, %swap3A_343] : memref<200x128xi32, #tpu.memory_space<vmem>> -> memref<1x128xi32, #tpu.memory_space<vmem>>
      %swap3A_345 = tpu.memref_squeeze %swap3A_344 : memref<1x128xi32, #tpu.memory_space<vmem>> -> memref<128xi32, #tpu.memory_space<vmem>>
      %swap3A_346 = arith.constant 96 : index
      %swap3A_347 = tpu.vector_load %swap3A_345[%swap3A_346] {strides = array<i32>} : memref<128xi32, #tpu.memory_space<vmem>>, vector<16xi32>,
      tpu.vector_store %swap3A_345[%swap3A_346], %add3A_342 {strides = array<i32>} : memref<128xi32, #tpu.memory_space<vmem>>, vector<16xi32>,
      %mul3A_348 = arith.constant 2 : i32
      %mul3A_349 = arith.muli %mul3A_348, %scan3A_74 : i32
      %add3A_350 = arith.constant 1 : i32
      %add3A_351 = arith.addi %mul3A_349, %add3A_350 : i32
      %mul3A_352 = arith.constant 2 : i32
      %mul3A_353 = vector.broadcast %mul3A_352 : i32 to vector<16xi32>
      %mul3A_354 = arith.muli %iota3A, %mul3A_353 : vector<16xi32>
      %add3A_355 = arith.constant 96 : i32
      %add3A_356 = vector.broadcast %add3A_355 : i32 to vector<16xi32>
      %add3A_357 = arith.addi %add3A_356, %mul3A_354 : vector<16xi32>
      %add3A_358 = arith.constant 0 : i32
      %add3A_359 = vector.broadcast %add3A_358 : i32 to vector<16xi32>
      %add3A_360 = arith.addi %add3A_357, %add3A_359 : vector<16xi32>
      %gather3A_361 = arith.constant 0 : i32
      %gather3A_362 = tpu.memref_slice %arg5[%add3A_351, %gather3A_361] : memref<200x128xi32, #tpu.memory_space<vmem>> -> memref<1x128xi32, #tpu.memory_space<vmem>>
      %gather3A_363 = tpu.memref_squeeze %gather3A_362 : memref<1x128xi32, #tpu.memory_space<vmem>> -> memref<128xi32, #tpu.memory_space<vmem>>
      %gather3A_364 = tpu.vector_load_idx %gather3A_363[%add3A_360] : memref<128xi32, #tpu.memory_space<vmem>>[vector<16xi32>], vector<16xi32>,
      %mul3A_365 = arith.constant 2 : i32
      %mul3A_366 = vector.broadcast %mul3A_365 : i32 to vector<16xi32>
      %mul3A_367 = arith.muli %iota3A, %mul3A_366 : vector<16xi32>
      %add3A_368 = arith.constant 96 : i32
      %add3A_369 = vector.broadcast %add3A_368 : i32 to vector<16xi32>
      %add3A_370 = arith.addi %add3A_369, %mul3A_367 : vector<16xi32>
      %add3A_371 = arith.constant 1 : i32
      %add3A_372 = vector.broadcast %add3A_371 : i32 to vector<16xi32>
      %add3A_373 = arith.addi %add3A_370, %add3A_372 : vector<16xi32>
      %gather3A_374 = arith.constant 0 : i32
      %gather3A_375 = tpu.memref_slice %arg5[%add3A_351, %gather3A_374] : memref<200x128xi32, #tpu.memory_space<vmem>> -> memref<1x128xi32, #tpu.memory_space<vmem>>
      %gather3A_376 = tpu.memref_squeeze %gather3A_375 : memref<1x128xi32, #tpu.memory_space<vmem>> -> memref<128xi32, #tpu.memory_space<vmem>>
      %gather3A_377 = tpu.vector_load_idx %gather3A_376[%add3A_373] : memref<128xi32, #tpu.memory_space<vmem>>[vector<16xi32>], vector<16xi32>,
      %mul3A_378 = arith.constant 4 : i32
      %mul3A_379 = vector.broadcast %mul3A_378 : i32 to vector<16xi32>
      %mul3A_380 = arith.muli %gather3A_364, %mul3A_379 : vector<16xi32>
      %add3A_381 = arith.addi %mul3A_380, %gather3A_377 : vector<16xi32>
      %swap3A_382 = arith.constant 0 : i32
      %swap3A_383 = tpu.memref_slice %arg5[%mul3A_76, %swap3A_382] : memref<200x128xi32, #tpu.memory_space<vmem>> -> memref<1x128xi32, #tpu.memory_space<vmem>>
      %swap3A_384 = tpu.memref_squeeze %swap3A_383 : memref<1x128xi32, #tpu.memory_space<vmem>> -> memref<128xi32, #tpu.memory_space<vmem>>
      %swap3A_385 = arith.constant 112 : index
      %swap3A_386 = tpu.vector_load %swap3A_384[%swap3A_385] {strides = array<i32>} : memref<128xi32, #tpu.memory_space<vmem>>, vector<16xi32>,
      tpu.vector_store %swap3A_384[%swap3A_385], %add3A_381 {strides = array<i32>} : memref<128xi32, #tpu.memory_space<vmem>>, vector<16xi32>,
    }
    %scan3A_13 = arith.constant 100 : i32
    %barrier3A = arith.constant 0 : index
    tpu.barrier barrier_id(%barrier3A)
    %mul3A_14 = arith.constant 12800 : i32
    %mul3A_15 = arith.muli %add3A, %mul3A_14 : i32
    %dma_start3A = arith.constant 0 : i32
    %dma_start3A_16 = arith.constant 0 : i32
    %dma_start3A_17 = tpu.memref_slice %arg5[%dma_start3A, %dma_start3A_16] : memref<200x128xi32, #tpu.memory_space<vmem>> -> memref<1x128xi32, #tpu.memory_space<vmem>>
    %dma_start3A_18 = tpu.memref_squeeze %dma_start3A_17 : memref<1x128xi32, #tpu.memory_space<vmem>> -> memref<128xi32, #tpu.memory_space<vmem>>
    %dma_start3A_19 = arith.constant 0 : i32
    %dma_start3A_20 = arith.constant 0 : i32
    %dma_start3A_21 = arith.constant 0 : i32
    %dma_start3A_22 = tpu.memref_slice %arg6[%dma_start3A_19, %dma_start3A_20, %dma_start3A_21] : memref<16x2x128xf32, #tpu.memory_space<vmem_shared>> -> memref<16x2x128xf32, #tpu.memory_space<vmem_shared>>
    tpu.enqueue_indirect_dma source(%dma_start3A_22 : memref<16x2x128xf32, #tpu.memory_space<vmem_shared>>) target(%arg7 : memref<128x2x128xf32, #tpu.memory_space<vmem>>) offsets(%dma_start3A_18 : memref<128xi32, #tpu.memory_space<vmem>>) semaphore(%arg10 : memref<!tpu.dma_semaphore, #tpu.memory_space<semaphore_mem>>)
    %scan3A_23 = arith.constant 0 : i32
    %scan3A_24 = arith.constant 0 : i32
    %scan3A_25 = arith.constant 33 : i32
    %scan3A_26 = arith.addi %scan3A_24, %scan3A_25 : i32
    %scan3A_27 = arith.constant 1 : i32
    scf.for %scan3A_74 = %scan3A_24 to %scan3A_26 step %scan3A_27  : i32 {
      %mul3A_75 = arith.constant 3 : i32
      %mul3A_76 = arith.muli %scan3A_74, %mul3A_75 : i32
      %add3A_77 = arith.constant 0 : i32
      %add3A_78 = arith.addi %mul3A_76, %add3A_77 : i32
      %dma_wait3A_79 = arith.constant 0 : i32
      %dma_wait3A_80 = arith.constant 0 : i32
      %dma_wait3A_81 = tpu.memref_slice %arg4[%mul3A_15, %dma_wait3A_79, %dma_wait3A_80] : memref<409600x2x128xf32, #tpu.memory_space<hbm>> -> memref<128x2x128xf32, #tpu.memory_space<hbm>>
      %dma_wait3A_82 = arith.constant 0 : i32
      %dma_wait3A_83 = arith.constant 0 : i32
      %dma_wait3A_84 = tpu.memref_slice %arg4[%mul3A_15, %dma_wait3A_82, %dma_wait3A_83] : memref<409600x2x128xf32, #tpu.memory_space<hbm>> -> memref<128x2x128xf32, #tpu.memory_space<hbm>>
      tpu.wait_dma2 semaphore(%arg10 : memref<!tpu.dma_semaphore, #tpu.memory_space<semaphore_mem>>) src(%dma_wait3A_84 : memref<128x2x128xf32, #tpu.memory_space<hbm>>) dst(%arg7 : memref<128x2x128xf32, #tpu.memory_space<vmem>>)
      %mul3A_85 = arith.constant 128 : i32
      %mul3A_86 = arith.muli %add3A_78, %mul3A_85 : i32
      %add3A_87 = arith.addi %mul3A_15, %mul3A_86 : i32
      %dma_start3A_88 = arith.constant 0 : i32
      %dma_start3A_89 = arith.constant 0 : i32
      %dma_start3A_90 = tpu.memref_slice %arg4[%add3A_87, %dma_start3A_88, %dma_start3A_89] : memref<409600x2x128xf32, #tpu.memory_space<hbm>> -> memref<128x2x128xf32, #tpu.memory_space<hbm>>
      %dma_start3A_91 = arith.constant 0 : i32
      %dma_start3A_92 = arith.constant 0 : i32
      %dma_start3A_93 = tpu.memref_slice %arg4[%add3A_87, %dma_start3A_91, %dma_start3A_92] : memref<409600x2x128xf32, #tpu.memory_space<hbm>> -> memref<128x2x128xf32, #tpu.memory_space<hbm>>
      tpu.enqueue_dma source(%arg7 : memref<128x2x128xf32, #tpu.memory_space<vmem>>) target(%dma_start3A_93 : memref<128x2x128xf32, #tpu.memory_space<hbm>>) target_semaphore(%arg13 : memref<!tpu.dma_semaphore, #tpu.memory_space<semaphore_mem>>)
      %add3A_94 = arith.constant 1 : i32
      %add3A_95 = arith.addi %add3A_78, %add3A_94 : i32
      %eq3A_96 = arith.constant 0 : i32
      %eq3A_97 = arith.cmpi eq, %scan3A_74, %eq3A_96 : i32
      %convert_element_type3A_98 = arith.extui %eq3A_97 : i1 to i32
      %cond3A_99 = arith.constant 0 : i32
      %cond3A_100 = arith.cmpi ne, %convert_element_type3A_98, %cond3A_99 : i32
      scf.if %cond3A_100 {
        %mul3A_161 = arith.constant 2 : i32
        %mul3A_162 = arith.muli %mul3A_161, %add3A_95 : i32
        %dma_start3A_163 = arith.constant 0 : i32
        %dma_start3A_164 = tpu.memref_slice %arg5[%mul3A_162, %dma_start3A_163] : memref<200x128xi32, #tpu.memory_space<vmem>> -> memref<1x128xi32, #tpu.memory_space<vmem>>
        %dma_start3A_165 = tpu.memref_squeeze %dma_start3A_164 : memref<1x128xi32, #tpu.memory_space<vmem>> -> memref<128xi32, #tpu.memory_space<vmem>>
        %dma_start3A_166 = arith.constant 0 : i32
        %dma_start3A_167 = arith.constant 0 : i32
        %dma_start3A_168 = arith.constant 0 : i32
        %dma_start3A_169 = tpu.memref_slice %arg6[%dma_start3A_166, %dma_start3A_167, %dma_start3A_168] : memref<16x2x128xf32, #tpu.memory_space<vmem_shared>> -> memref<16x2x128xf32, #tpu.memory_space<vmem_shared>>
        tpu.enqueue_indirect_dma source(%dma_start3A_169 : memref<16x2x128xf32, #tpu.memory_space<vmem_shared>>) target(%arg8 : memref<128x2x128xf32, #tpu.memory_space<vmem>>) offsets(%dma_start3A_165 : memref<128xi32, #tpu.memory_space<vmem>>) semaphore(%arg11 : memref<!tpu.dma_semaphore, #tpu.memory_space<semaphore_mem>>)
      } else {
      }
      %ge3A = arith.constant 1 : i32
      %ge3A_101 = arith.cmpi sge, %scan3A_74, %ge3A : i32
      %convert_element_type3A_102 = arith.extui %ge3A_101 : i1 to i32
      %cond3A_103 = arith.constant 0 : i32
      %cond3A_104 = arith.cmpi ne, %convert_element_type3A_102, %cond3A_103 : i32
      scf.if %cond3A_104 {
        %dma_wait3A_161 = arith.constant 0 : i32
        %dma_wait3A_162 = arith.constant 0 : i32
        %dma_wait3A_163 = tpu.memref_slice %arg4[%mul3A_15, %dma_wait3A_161, %dma_wait3A_162] : memref<409600x2x128xf32, #tpu.memory_space<hbm>> -> memref<128x2x128xf32, #tpu.memory_space<hbm>>
        %dma_wait3A_164 = arith.constant 0 : i32
        %dma_wait3A_165 = arith.constant 0 : i32
        %dma_wait3A_166 = tpu.memref_slice %arg4[%mul3A_15, %dma_wait3A_164, %dma_wait3A_165] : memref<409600x2x128xf32, #tpu.memory_space<hbm>> -> memref<128x2x128xf32, #tpu.memory_space<hbm>>
        tpu.wait_dma2 semaphore(%arg14 : memref<!tpu.dma_semaphore, #tpu.memory_space<semaphore_mem>>) src(%dma_wait3A_166 : memref<128x2x128xf32, #tpu.memory_space<hbm>>) dst(%arg8 : memref<128x2x128xf32, #tpu.memory_space<vmem>>)
        %mul3A_167 = arith.constant 2 : i32
        %mul3A_168 = arith.muli %mul3A_167, %add3A_95 : i32
        %dma_start3A_169 = arith.constant 0 : i32
        %dma_start3A_170 = tpu.memref_slice %arg5[%mul3A_168, %dma_start3A_169] : memref<200x128xi32, #tpu.memory_space<vmem>> -> memref<1x128xi32, #tpu.memory_space<vmem>>
        %dma_start3A_171 = tpu.memref_squeeze %dma_start3A_170 : memref<1x128xi32, #tpu.memory_space<vmem>> -> memref<128xi32, #tpu.memory_space<vmem>>
        %dma_start3A_172 = arith.constant 0 : i32
        %dma_start3A_173 = arith.constant 0 : i32
        %dma_start3A_174 = arith.constant 0 : i32
        %dma_start3A_175 = tpu.memref_slice %arg6[%dma_start3A_172, %dma_start3A_173, %dma_start3A_174] : memref<16x2x128xf32, #tpu.memory_space<vmem_shared>> -> memref<16x2x128xf32, #tpu.memory_space<vmem_shared>>
        tpu.enqueue_indirect_dma source(%dma_start3A_175 : memref<16x2x128xf32, #tpu.memory_space<vmem_shared>>) target(%arg8 : memref<128x2x128xf32, #tpu.memory_space<vmem>>) offsets(%dma_start3A_171 : memref<128xi32, #tpu.memory_space<vmem>>) semaphore(%arg11 : memref<!tpu.dma_semaphore, #tpu.memory_space<semaphore_mem>>)
      } else {
      }
      %mul3A_105 = arith.constant 3 : i32
      %mul3A_106 = arith.muli %scan3A_74, %mul3A_105 : i32
      %add3A_107 = arith.constant 1 : i32
      %add3A_108 = arith.addi %mul3A_106, %add3A_107 : i32
      %dma_wait3A_109 = arith.constant 0 : i32
      %dma_wait3A_110 = arith.constant 0 : i32
      %dma_wait3A_111 = tpu.memref_slice %arg4[%mul3A_15, %dma_wait3A_109, %dma_wait3A_110] : memref<409600x2x128xf32, #tpu.memory_space<hbm>> -> memref<128x2x128xf32, #tpu.memory_space<hbm>>
      %dma_wait3A_112 = arith.constant 0 : i32
      %dma_wait3A_113 = arith.constant 0 : i32
      %dma_wait3A_114 = tpu.memref_slice %arg4[%mul3A_15, %dma_wait3A_112, %dma_wait3A_113] : memref<409600x2x128xf32, #tpu.memory_space<hbm>> -> memref<128x2x128xf32, #tpu.memory_space<hbm>>
      tpu.wait_dma2 semaphore(%arg11 : memref<!tpu.dma_semaphore, #tpu.memory_space<semaphore_mem>>) src(%dma_wait3A_114 : memref<128x2x128xf32, #tpu.memory_space<hbm>>) dst(%arg8 : memref<128x2x128xf32, #tpu.memory_space<vmem>>)
      %mul3A_115 = arith.constant 128 : i32
      %mul3A_116 = arith.muli %add3A_108, %mul3A_115 : i32
      %add3A_117 = arith.addi %mul3A_15, %mul3A_116 : i32
      %dma_start3A_118 = arith.constant 0 : i32
      %dma_start3A_119 = arith.constant 0 : i32
      %dma_start3A_120 = tpu.memref_slice %arg4[%add3A_117, %dma_start3A_118, %dma_start3A_119] : memref<409600x2x128xf32, #tpu.memory_space<hbm>> -> memref<128x2x128xf32, #tpu.memory_space<hbm>>
      %dma_start3A_121 = arith.constant 0 : i32
      %dma_start3A_122 = arith.constant 0 : i32
      %dma_start3A_123 = tpu.memref_slice %arg4[%add3A_117, %dma_start3A_121, %dma_start3A_122] : memref<409600x2x128xf32, #tpu.memory_space<hbm>> -> memref<128x2x128xf32, #tpu.memory_space<hbm>>
      tpu.enqueue_dma source(%arg8 : memref<128x2x128xf32, #tpu.memory_space<vmem>>) target(%dma_start3A_123 : memref<128x2x128xf32, #tpu.memory_space<hbm>>) target_semaphore(%arg14 : memref<!tpu.dma_semaphore, #tpu.memory_space<semaphore_mem>>)
      %add3A_124 = arith.constant 1 : i32
      %add3A_125 = arith.addi %add3A_108, %add3A_124 : i32
      %eq3A_126 = arith.constant 0 : i32
      %eq3A_127 = arith.cmpi eq, %scan3A_74, %eq3A_126 : i32
      %convert_element_type3A_128 = arith.extui %eq3A_127 : i1 to i32
      %cond3A_129 = arith.constant 0 : i32
      %cond3A_130 = arith.cmpi ne, %convert_element_type3A_128, %cond3A_129 : i32
      scf.if %cond3A_130 {
        %mul3A_161 = arith.constant 2 : i32
        %mul3A_162 = arith.muli %mul3A_161, %add3A_125 : i32
        %dma_start3A_163 = arith.constant 0 : i32
        %dma_start3A_164 = tpu.memref_slice %arg5[%mul3A_162, %dma_start3A_163] : memref<200x128xi32, #tpu.memory_space<vmem>> -> memref<1x128xi32, #tpu.memory_space<vmem>>
        %dma_start3A_165 = tpu.memref_squeeze %dma_start3A_164 : memref<1x128xi32, #tpu.memory_space<vmem>> -> memref<128xi32, #tpu.memory_space<vmem>>
        %dma_start3A_166 = arith.constant 0 : i32
        %dma_start3A_167 = arith.constant 0 : i32
        %dma_start3A_168 = arith.constant 0 : i32
        %dma_start3A_169 = tpu.memref_slice %arg6[%dma_start3A_166, %dma_start3A_167, %dma_start3A_168] : memref<16x2x128xf32, #tpu.memory_space<vmem_shared>> -> memref<16x2x128xf32, #tpu.memory_space<vmem_shared>>
        tpu.enqueue_indirect_dma source(%dma_start3A_169 : memref<16x2x128xf32, #tpu.memory_space<vmem_shared>>) target(%arg9 : memref<128x2x128xf32, #tpu.memory_space<vmem>>) offsets(%dma_start3A_165 : memref<128xi32, #tpu.memory_space<vmem>>) semaphore(%arg12 : memref<!tpu.dma_semaphore, #tpu.memory_space<semaphore_mem>>)
      } else {
      }
      %ge3A_131 = arith.constant 1 : i32
      %ge3A_132 = arith.cmpi sge, %scan3A_74, %ge3A_131 : i32
      %convert_element_type3A_133 = arith.extui %ge3A_132 : i1 to i32
      %cond3A_134 = arith.constant 0 : i32
      %cond3A_135 = arith.cmpi ne, %convert_element_type3A_133, %cond3A_134 : i32
      scf.if %cond3A_135 {
        %dma_wait3A_161 = arith.constant 0 : i32
        %dma_wait3A_162 = arith.constant 0 : i32
        %dma_wait3A_163 = tpu.memref_slice %arg4[%mul3A_15, %dma_wait3A_161, %dma_wait3A_162] : memref<409600x2x128xf32, #tpu.memory_space<hbm>> -> memref<128x2x128xf32, #tpu.memory_space<hbm>>
        %dma_wait3A_164 = arith.constant 0 : i32
        %dma_wait3A_165 = arith.constant 0 : i32
        %dma_wait3A_166 = tpu.memref_slice %arg4[%mul3A_15, %dma_wait3A_164, %dma_wait3A_165] : memref<409600x2x128xf32, #tpu.memory_space<hbm>> -> memref<128x2x128xf32, #tpu.memory_space<hbm>>
        tpu.wait_dma2 semaphore(%arg15 : memref<!tpu.dma_semaphore, #tpu.memory_space<semaphore_mem>>) src(%dma_wait3A_166 : memref<128x2x128xf32, #tpu.memory_space<hbm>>) dst(%arg9 : memref<128x2x128xf32, #tpu.memory_space<vmem>>)
        %mul3A_167 = arith.constant 2 : i32
        %mul3A_168 = arith.muli %mul3A_167, %add3A_125 : i32
        %dma_start3A_169 = arith.constant 0 : i32
        %dma_start3A_170 = tpu.memref_slice %arg5[%mul3A_168, %dma_start3A_169] : memref<200x128xi32, #tpu.memory_space<vmem>> -> memref<1x128xi32, #tpu.memory_space<vmem>>
        %dma_start3A_171 = tpu.memref_squeeze %dma_start3A_170 : memref<1x128xi32, #tpu.memory_space<vmem>> -> memref<128xi32, #tpu.memory_space<vmem>>
        %dma_start3A_172 = arith.constant 0 : i32
        %dma_start3A_173 = arith.constant 0 : i32
        %dma_start3A_174 = arith.constant 0 : i32
        %dma_start3A_175 = tpu.memref_slice %arg6[%dma_start3A_172, %dma_start3A_173, %dma_start3A_174] : memref<16x2x128xf32, #tpu.memory_space<vmem_shared>> -> memref<16x2x128xf32, #tpu.memory_space<vmem_shared>>
        tpu.enqueue_indirect_dma source(%dma_start3A_175 : memref<16x2x128xf32, #tpu.memory_space<vmem_shared>>) target(%arg9 : memref<128x2x128xf32, #tpu.memory_space<vmem>>) offsets(%dma_start3A_171 : memref<128xi32, #tpu.memory_space<vmem>>) semaphore(%arg12 : memref<!tpu.dma_semaphore, #tpu.memory_space<semaphore_mem>>)
      } else {
      }
      %mul3A_136 = arith.constant 3 : i32
      %mul3A_137 = arith.muli %scan3A_74, %mul3A_136 : i32
      %add3A_138 = arith.constant 2 : i32
      %add3A_139 = arith.addi %mul3A_137, %add3A_138 : i32
      %dma_wait3A_140 = arith.constant 0 : i32
      %dma_wait3A_141 = arith.constant 0 : i32
      %dma_wait3A_142 = tpu.memref_slice %arg4[%mul3A_15, %dma_wait3A_140, %dma_wait3A_141] : memref<409600x2x128xf32, #tpu.memory_space<hbm>> -> memref<128x2x128xf32, #tpu.memory_space<hbm>>
      %dma_wait3A_143 = arith.constant 0 : i32
      %dma_wait3A_144 = arith.constant 0 : i32
      %dma_wait3A_145 = tpu.memref_slice %arg4[%mul3A_15, %dma_wait3A_143, %dma_wait3A_144] : memref<409600x2x128xf32, #tpu.memory_space<hbm>> -> memref<128x2x128xf32, #tpu.memory_space<hbm>>
      tpu.wait_dma2 semaphore(%arg12 : memref<!tpu.dma_semaphore, #tpu.memory_space<semaphore_mem>>) src(%dma_wait3A_145 : memref<128x2x128xf32, #tpu.memory_space<hbm>>) dst(%arg9 : memref<128x2x128xf32, #tpu.memory_space<vmem>>)
      %mul3A_146 = arith.constant 128 : i32
      %mul3A_147 = arith.muli %add3A_139, %mul3A_146 : i32
      %add3A_148 = arith.addi %mul3A_15, %mul3A_147 : i32
      %dma_start3A_149 = arith.constant 0 : i32
      %dma_start3A_150 = arith.constant 0 : i32
      %dma_start3A_151 = tpu.memref_slice %arg4[%add3A_148, %dma_start3A_149, %dma_start3A_150] : memref<409600x2x128xf32, #tpu.memory_space<hbm>> -> memref<128x2x128xf32, #tpu.memory_space<hbm>>
      %dma_start3A_152 = arith.constant 0 : i32
      %dma_start3A_153 = arith.constant 0 : i32
      %dma_start3A_154 = tpu.memref_slice %arg4[%add3A_148, %dma_start3A_152, %dma_start3A_153] : memref<409600x2x128xf32, #tpu.memory_space<hbm>> -> memref<128x2x128xf32, #tpu.memory_space<hbm>>
      tpu.enqueue_dma source(%arg9 : memref<128x2x128xf32, #tpu.memory_space<vmem>>) target(%dma_start3A_154 : memref<128x2x128xf32, #tpu.memory_space<hbm>>) target_semaphore(%arg15 : memref<!tpu.dma_semaphore, #tpu.memory_space<semaphore_mem>>)
      %add3A_155 = arith.constant 1 : i32
      %add3A_156 = arith.addi %add3A_139, %add3A_155 : i32
      %lt3A = arith.constant 32 : i32
      %lt3A_157 = arith.cmpi slt, %scan3A_74, %lt3A : i32
      %convert_element_type3A_158 = arith.extui %lt3A_157 : i1 to i32
      %cond3A_159 = arith.constant 0 : i32
      %cond3A_160 = arith.cmpi ne, %convert_element_type3A_158, %cond3A_159 : i32
      scf.if %cond3A_160 {
        %dma_wait3A_161 = arith.constant 0 : i32
        %dma_wait3A_162 = arith.constant 0 : i32
        %dma_wait3A_163 = tpu.memref_slice %arg4[%mul3A_15, %dma_wait3A_161, %dma_wait3A_162] : memref<409600x2x128xf32, #tpu.memory_space<hbm>> -> memref<128x2x128xf32, #tpu.memory_space<hbm>>
        %dma_wait3A_164 = arith.constant 0 : i32
        %dma_wait3A_165 = arith.constant 0 : i32
        %dma_wait3A_166 = tpu.memref_slice %arg4[%mul3A_15, %dma_wait3A_164, %dma_wait3A_165] : memref<409600x2x128xf32, #tpu.memory_space<hbm>> -> memref<128x2x128xf32, #tpu.memory_space<hbm>>
        tpu.wait_dma2 semaphore(%arg13 : memref<!tpu.dma_semaphore, #tpu.memory_space<semaphore_mem>>) src(%dma_wait3A_166 : memref<128x2x128xf32, #tpu.memory_space<hbm>>) dst(%arg7 : memref<128x2x128xf32, #tpu.memory_space<vmem>>)
        %mul3A_167 = arith.constant 2 : i32
        %mul3A_168 = arith.muli %mul3A_167, %add3A_156 : i32
        %dma_start3A_169 = arith.constant 0 : i32
        %dma_start3A_170 = tpu.memref_slice %arg5[%mul3A_168, %dma_start3A_169] : memref<200x128xi32, #tpu.memory_space<vmem>> -> memref<1x128xi32, #tpu.memory_space<vmem>>
        %dma_start3A_171 = tpu.memref_squeeze %dma_start3A_170 : memref<1x128xi32, #tpu.memory_space<vmem>> -> memref<128xi32, #tpu.memory_space<vmem>>
        %dma_start3A_172 = arith.constant 0 : i32
        %dma_start3A_173 = arith.constant 0 : i32
        %dma_start3A_174 = arith.constant 0 : i32
        %dma_start3A_175 = tpu.memref_slice %arg6[%dma_start3A_172, %dma_start3A_173, %dma_start3A_174] : memref<16x2x128xf32, #tpu.memory_space<vmem_shared>> -> memref<16x2x128xf32, #tpu.memory_space<vmem_shared>>
        tpu.enqueue_indirect_dma source(%dma_start3A_175 : memref<16x2x128xf32, #tpu.memory_space<vmem_shared>>) target(%arg7 : memref<128x2x128xf32, #tpu.memory_space<vmem>>) offsets(%dma_start3A_171 : memref<128xi32, #tpu.memory_space<vmem>>) semaphore(%arg10 : memref<!tpu.dma_semaphore, #tpu.memory_space<semaphore_mem>>)
      } else {
      }
    }
    %scan3A_28 = arith.constant 33 : i32
    %dma_wait3A = arith.constant 0 : i32
    %dma_wait3A_29 = arith.constant 0 : i32
    %dma_wait3A_30 = tpu.memref_slice %arg4[%mul3A_15, %dma_wait3A, %dma_wait3A_29] : memref<409600x2x128xf32, #tpu.memory_space<hbm>> -> memref<128x2x128xf32, #tpu.memory_space<hbm>>
    %dma_wait3A_31 = arith.constant 0 : i32
    %dma_wait3A_32 = arith.constant 0 : i32
    %dma_wait3A_33 = tpu.memref_slice %arg4[%mul3A_15, %dma_wait3A_31, %dma_wait3A_32] : memref<409600x2x128xf32, #tpu.memory_space<hbm>> -> memref<128x2x128xf32, #tpu.memory_space<hbm>>
    tpu.wait_dma2 semaphore(%arg13 : memref<!tpu.dma_semaphore, #tpu.memory_space<semaphore_mem>>) src(%dma_wait3A_33 : memref<128x2x128xf32, #tpu.memory_space<hbm>>) dst(%arg7 : memref<128x2x128xf32, #tpu.memory_space<vmem>>)
    %dma_start3A_34 = arith.constant 198 : i32
    %dma_start3A_35 = arith.constant 0 : i32
    %dma_start3A_36 = tpu.memref_slice %arg5[%dma_start3A_34, %dma_start3A_35] : memref<200x128xi32, #tpu.memory_space<vmem>> -> memref<1x128xi32, #tpu.memory_space<vmem>>
    %dma_start3A_37 = tpu.memref_squeeze %dma_start3A_36 : memref<1x128xi32, #tpu.memory_space<vmem>> -> memref<128xi32, #tpu.memory_space<vmem>>
    %dma_start3A_38 = arith.constant 0 : i32
    %dma_start3A_39 = arith.constant 0 : i32
    %dma_start3A_40 = arith.constant 0 : i32
    %dma_start3A_41 = tpu.memref_slice %arg6[%dma_start3A_38, %dma_start3A_39, %dma_start3A_40] : memref<16x2x128xf32, #tpu.memory_space<vmem_shared>> -> memref<16x2x128xf32, #tpu.memory_space<vmem_shared>>
    tpu.enqueue_indirect_dma source(%dma_start3A_41 : memref<16x2x128xf32, #tpu.memory_space<vmem_shared>>) target(%arg7 : memref<128x2x128xf32, #tpu.memory_space<vmem>>) offsets(%dma_start3A_37 : memref<128xi32, #tpu.memory_space<vmem>>) semaphore(%arg10 : memref<!tpu.dma_semaphore, #tpu.memory_space<semaphore_mem>>)
    %dma_wait3A_42 = arith.constant 0 : i32
    %dma_wait3A_43 = arith.constant 0 : i32
    %dma_wait3A_44 = tpu.memref_slice %arg4[%mul3A_15, %dma_wait3A_42, %dma_wait3A_43] : memref<409600x2x128xf32, #tpu.memory_space<hbm>> -> memref<128x2x128xf32, #tpu.memory_space<hbm>>
    %dma_wait3A_45 = arith.constant 0 : i32
    %dma_wait3A_46 = arith.constant 0 : i32
    %dma_wait3A_47 = tpu.memref_slice %arg4[%mul3A_15, %dma_wait3A_45, %dma_wait3A_46] : memref<409600x2x128xf32, #tpu.memory_space<hbm>> -> memref<128x2x128xf32, #tpu.memory_space<hbm>>
    tpu.wait_dma2 semaphore(%arg10 : memref<!tpu.dma_semaphore, #tpu.memory_space<semaphore_mem>>) src(%dma_wait3A_47 : memref<128x2x128xf32, #tpu.memory_space<hbm>>) dst(%arg7 : memref<128x2x128xf32, #tpu.memory_space<vmem>>)
    %add3A_48 = arith.constant 12672 : i32
    %add3A_49 = arith.addi %mul3A_15, %add3A_48 : i32
    %dma_start3A_50 = arith.constant 0 : i32
    %dma_start3A_51 = arith.constant 0 : i32
    %dma_start3A_52 = tpu.memref_slice %arg4[%add3A_49, %dma_start3A_50, %dma_start3A_51] : memref<409600x2x128xf32, #tpu.memory_space<hbm>> -> memref<128x2x128xf32, #tpu.memory_space<hbm>>
    %dma_start3A_53 = arith.constant 0 : i32
    %dma_start3A_54 = arith.constant 0 : i32
    %dma_start3A_55 = tpu.memref_slice %arg4[%add3A_49, %dma_start3A_53, %dma_start3A_54] : memref<409600x2x128xf32, #tpu.memory_space<hbm>> -> memref<128x2x128xf32, #tpu.memory_space<hbm>>
    tpu.enqueue_dma source(%arg7 : memref<128x2x128xf32, #tpu.memory_space<vmem>>) target(%dma_start3A_55 : memref<128x2x128xf32, #tpu.memory_space<hbm>>) target_semaphore(%arg13 : memref<!tpu.dma_semaphore, #tpu.memory_space<semaphore_mem>>)
    %dma_wait3A_56 = arith.constant 0 : i32
    %dma_wait3A_57 = arith.constant 0 : i32
    %dma_wait3A_58 = tpu.memref_slice %arg4[%mul3A_15, %dma_wait3A_56, %dma_wait3A_57] : memref<409600x2x128xf32, #tpu.memory_space<hbm>> -> memref<128x2x128xf32, #tpu.memory_space<hbm>>
    %dma_wait3A_59 = arith.constant 0 : i32
    %dma_wait3A_60 = arith.constant 0 : i32
    %dma_wait3A_61 = tpu.memref_slice %arg4[%mul3A_15, %dma_wait3A_59, %dma_wait3A_60] : memref<409600x2x128xf32, #tpu.memory_space<hbm>> -> memref<128x2x128xf32, #tpu.memory_space<hbm>>
    tpu.wait_dma2 semaphore(%arg14 : memref<!tpu.dma_semaphore, #tpu.memory_space<semaphore_mem>>) src(%dma_wait3A_61 : memref<128x2x128xf32, #tpu.memory_space<hbm>>) dst(%arg8 : memref<128x2x128xf32, #tpu.memory_space<vmem>>)
    %dma_wait3A_62 = arith.constant 0 : i32
    %dma_wait3A_63 = arith.constant 0 : i32
    %dma_wait3A_64 = tpu.memref_slice %arg4[%mul3A_15, %dma_wait3A_62, %dma_wait3A_63] : memref<409600x2x128xf32, #tpu.memory_space<hbm>> -> memref<128x2x128xf32, #tpu.memory_space<hbm>>
    %dma_wait3A_65 = arith.constant 0 : i32
    %dma_wait3A_66 = arith.constant 0 : i32
    %dma_wait3A_67 = tpu.memref_slice %arg4[%mul3A_15, %dma_wait3A_65, %dma_wait3A_66] : memref<409600x2x128xf32, #tpu.memory_space<hbm>> -> memref<128x2x128xf32, #tpu.memory_space<hbm>>
    tpu.wait_dma2 semaphore(%arg15 : memref<!tpu.dma_semaphore, #tpu.memory_space<semaphore_mem>>) src(%dma_wait3A_67 : memref<128x2x128xf32, #tpu.memory_space<hbm>>) dst(%arg9 : memref<128x2x128xf32, #tpu.memory_space<vmem>>)
    %dma_wait3A_68 = arith.constant 0 : i32
    %dma_wait3A_69 = arith.constant 0 : i32
    %dma_wait3A_70 = tpu.memref_slice %arg4[%mul3A_15, %dma_wait3A_68, %dma_wait3A_69] : memref<409600x2x128xf32, #tpu.memory_space<hbm>> -> memref<128x2x128xf32, #tpu.memory_space<hbm>>
    %dma_wait3A_71 = arith.constant 0 : i32
    %dma_wait3A_72 = arith.constant 0 : i32
    %dma_wait3A_73 = tpu.memref_slice %arg4[%mul3A_15, %dma_wait3A_71, %dma_wait3A_72] : memref<409600x2x128xf32, #tpu.memory_space<hbm>> -> memref<128x2x128xf32, #tpu.memory_space<hbm>>
    tpu.wait_dma2 semaphore(%arg13 : memref<!tpu.dma_semaphore, #tpu.memory_space<semaphore_mem>>) src(%dma_wait3A_73 : memref<128x2x128xf32, #tpu.memory_space<hbm>>) dst(%arg7 : memref<128x2x128xf32, #tpu.memory_space<vmem>>)
    return
  }
}

</mosaic_0001>

<sc_bundles>
// kernel: kernel.3.cloned.1.call-start
scs
__scs_entry_jumppad:
0x0: {  	(pc) =	sbr.rel $0x88, $3  }
0x1: {  	(tag) =	ssettag $0x0;
	lr =	simm.s32 $0x1  }
0x2: {  	[smem:$0x3F9F] =	sst lr;
	_ =	strace $0xD0000000  }
0x3: {  	_ = 	snop  }
0x4: {  	_ = 	snop  }
0x5: {  	_ = 	snop  }
0x6: {  	_ = 	snop  }
0x7: {  	_ = 	snop  }
__scs_overlays_trampoline_lowered:
0x8: {  	[smem:$0x3FAE] =	sst s0  }
0x9: {  	[smem:$0x3FAF] =	sst s1  }
0xa: {  	[smem:$0x3FB0] =	sst s2  }
0xb: {  	[smem:$0x3FB1] =	sst s3  }
0xc: {  	[smem:$0x3FB2] =	sst s4  }
0xd: {  	[smem:$0x3FB3] =	sst s5  }
0xe: {  	[smem:$0x3FB4] =	sst s6  }
0xf: {  	[smem:$0x3FB5] =	sst s7  }
0x10: {  	[smem:$0x3FB6] =	sst s8  }
0x11: {  	[smem:$0x3FB7] =	sst s9;
	s0 =	simm.s32 @!p0 $0x0  }
0x12: {  	s1 =	sld [smem:$0x3F9D];
	s0 =	simm.s32 @p0 $0x1  }
0x13: {  	[smem:$0x3FB8] =	sst s0;
	s0 =	simm.s32 @!p1 $0x0  }
0x14: {  	s2 =	sld [smem:$0x3F9C];
	s0 =	simm.s32 @p1 $0x1  }
0x15: {  	[smem:$0x3FB9] =	sst s0;
	s0 =	simm.s32 @!p2 $0x0  }
0x16: {  	s3 =	sld [smem:$0x3FDB];
	s0 =	simm.s32 @p2 $0x1  }
0x17: {  	s4 =	simm.s32 $0x1BF5;
	[smem:$0x3FBB] =	sst s0  }
0x18: {  	s0 =	sld [smem:$0x3F9E];
	_ =	swait.ge [sflag:s4], $0x0  }
0x19: {  	s7 =	sld [smem:$0x3F9F]  }
0x1a: {  	s8 =	sadd.s32 $0xFFFFE003, lr  }
0x1b: {  	s9 =	sadd.s32 $0xFFFFFEF7, lr;
	s5 =	simm.s32 $0xFFFFFFFF;
	p2 =	slt.u32 s8, $0xFFFFF086  }
0x1c: {  	p1 =	slt.u32 s9, $0xF7A;
	s5 =	simm.s32 @!p2 $0x0  }
0x1d: {  	s5 =	simm.s32 @p1 $0x1;
	p0 =	seq.s32 s7, s2  }
0x1e: {  	s7 =	smul.u32 @!p0 $0xF7A, s2;
	p2 =	seq.s32 @!p0 s5, $0x0  }
0x1f: {  	s9 =	smul.u32 $0xF7A, s1;
	s8 =	simm.s32 @!p0 $0x1BF5;
	p2 =	por !p2, p0  }
0x20: {  	[sflag:s8] =	ssyncset.s32 @!p0 $0xFFFFF086;
	s6 =	sadd.s32 @!p0 s3, s7;
	s7 =	simm.s32 @!p0 $0x108  }
0x21: {  	s3 =	sadd.s32 s3, s9;
	s6 =	sadd.s32 @!p0 $0x88, s6;
	s7 =	simm.s32 @p2 $0x1082  }
0x22: {  	[simem:s7], [sflag:s8] =	dma.local @!p0 [hbm:s6], $0xF7A  }
0x23: {  	s9 =	sor.u32 $0xD0000000, s2;
	s6 =	simm.s32 $0x108;
	_ =	swait.ge @!p0 [sflag:s8], $0x0  }
0x24: {  	s3 =	sadd.s32 $0x88, s3;
	s6 =	simm.s32 @!p1 $0x1082;
	[sflag:s4] =	ssyncset.s32 $0xFFFFF086  }
0x25: {  	[simem:s6], [sflag:s4] =	dma.local [hbm:s3], $0xF7A  }
0x26: {  	[smem:$0x3F9F] =	sst s1;
	(tag) =	ssettag s2;
	_ =	strace s9  }
0x27: {  	s1 =	sld [smem:$0x3FAF]  }
0x28: {  	s2 =	sld [smem:$0x3FB0]  }
0x29: {  	s4 =	sld [smem:$0x3FB2]  }
0x2a: {  	p0 =	seq.s32 s5, $0x0;
	s5 =	sld [smem:$0x3FB3]  }
0x2b: {  	s6 =	sld [smem:$0x3FB4]  }
0x2c: {  	s7 =	sld [smem:$0x3FB5]  }
0x2d: {  	s3 =	simm.s32 $0x108;
	s8 =	sld [smem:$0x3FB6]  }
0x2e: {  	s3 =	simm.s32 @!p0 $0x1082;
	s9 =	sld [smem:$0x3FB7]  }
0x2f: {  	lr =	sadd.s32 s0, s3;
	s0 =	sld [smem:$0x3FAE]  }
0x30: {  	s3 =	sld [smem:$0x3FB1]  }
0x31: {  	[smem:$0x3FBA] =	sst s10  }
0x32: {  	s10 =	sld [smem:$0x3FB8];
	_ =	sdelay $0x3  }
0x33: {  	p0 =	seq.s32 s10, $0x1;
	s10 =	sld [smem:$0x3FBA];
	_ =	sdelay $0x3  }
0x34: {  	[smem:$0x3FBA] =	sst s10  }
0x35: {  	s10 =	sld [smem:$0x3FB9];
	_ =	sdelay $0x3  }
0x36: {  	p1 =	seq.s32 s10, $0x1;
	s10 =	sld [smem:$0x3FBA];
	_ =	sdelay $0x3  }
0x37: {  	[smem:$0x3FBA] =	sst s10  }
0x38: {  	s10 =	sld [smem:$0x3FBB]  }
0x39: {  	_ = 	snop;
	(pc) =	sbr.ind lr, $3  }
0x3a: {  	_ = 	snop  }
0x3b: {  	_ = 	snop  }
0x3c: {  	p2 =	seq.s32 s10, $0x1;
	s10 =	sld [smem:$0x3FBA]  }
0x3d: {  	_ =	shalt  }
0x3e: {  	_ =	shalt  }
0x3f: {  	_ =	shalt  }
0x40: {  	_ =	shalt  }
0x41: {  	_ =	shalt  }
0x42: {  	_ =	shalt  }
0x43: {  	_ =	shalt  }
0x44: {  	_ =	shalt  }
0x45: {  	_ =	shalt  }
0x46: {  	_ =	shalt  }
0x47: {  	_ =	shalt  }
0x48: {  	_ =	shalt  }
0x49: {  	_ =	shalt  }
0x4a: {  	_ =	shalt  }
0x4b: {  	_ =	shalt  }
0x4c: {  	_ =	shalt  }
0x4d: {  	_ =	shalt  }
0x4e: {  	_ =	shalt  }
0x4f: {  	_ =	shalt  }
0x50: {  	_ =	shalt  }
0x51: {  	_ =	shalt  }
0x52: {  	_ =	shalt  }
0x53: {  	_ =	shalt  }
0x54: {  	_ =	shalt  }
0x55: {  	_ =	shalt  }
0x56: {  	_ =	shalt  }
0x57: {  	_ =	shalt  }
0x58: {  	_ =	shalt  }
0x59: {  	_ =	shalt  }
0x5a: {  	_ =	shalt  }
0x5b: {  	_ =	shalt  }
0x5c: {  	_ =	shalt  }
0x5d: {  	_ =	shalt  }
0x5e: {  	_ =	shalt  }
0x5f: {  	_ =	shalt  }
0x60: {  	_ =	shalt  }
0x61: {  	_ =	shalt  }
0x62: {  	_ =	shalt  }
0x63: {  	_ =	shalt  }
0x64: {  	_ =	shalt  }
0x65: {  	_ =	shalt  }
0x66: {  	_ =	shalt  }
0x67: {  	_ =	shalt  }
0x68: {  	_ =	shalt  }
0x69: {  	_ =	shalt  }
0x6a: {  	_ =	shalt  }
0x6b: {  	_ =	shalt  }
0x6c: {  	_ =	shalt  }
0x6d: {  	_ =	shalt  }
0x6e: {  	_ =	shalt  }
0x6f: {  	_ =	shalt  }
0x70: {  	_ =	shalt  }
0x71: {  	_ =	shalt  }
0x72: {  	_ =	shalt  }
0x73: {  	_ =	shalt  }
0x74: {  	_ =	shalt  }
0x75: {  	_ =	shalt  }
0x76: {  	_ =	shalt  }
0x77: {  	_ =	shalt  }
0x78: {  	_ =	shalt  }
0x79: {  	_ =	shalt  }
0x7a: {  	_ =	shalt  }
0x7b: {  	_ =	shalt  }
0x7c: {  	_ =	shalt  }
0x7d: {  	_ =	shalt  }
0x7e: {  	_ =	shalt  }
0x7f: {  	_ =	shalt  }
0x80: {  	_ =	shalt  }
0x81: {  	_ =	shalt  }
0x82: {  	_ =	shalt  }
0x83: {  	_ =	shalt  }
0x84: {  	_ =	shalt  }
0x85: {  	_ =	shalt  }
0x86: {  	_ =	shalt  }
0x87: {  	_ =	shalt  }
.Lfunc_end0:
.L_simem_size_0:
called_computation_lowered:
.L_overlay_start_0:
0x88: {  	s2 =	sld [smem:$0x3FD9]  }
0x89: {  	s3 =	sld [smem:$0x3FFE];
	_ =	sdelay $0x1  }
0x8a: {  	s1 =	srdreg.scid  }
0x8b: {  	s0 =	sand.u32 $0x1, s1  }
0x8c: {  	s17 =	sshll.u32 s0, $0xA;
	s2 =	sadd.s32 s3, s2  }
0x8d: {  	s2 =	sadd.s32 s2, s17  }
0x8e: {  	[smem:$0x3FC6] =	sst s2  }
0x8f: {  	_ = 	snop  }
0x90: {  	s2 =	sld [smem:$0x3FD0];
	(tm) =	ssettm $0x1  }
0x91: {  	s18 =	sld [smem:$0x3FFB];
	_ =	sdelay $0x3  }
0x92: {  	_ =	strace s18  }
0x93: {  	s3 =	sld [smem:$0x3FFC];
	_ =	sdelay $0x3  }
0x94: {  	_ =	strace s3  }
0x95: {  	s3 =	sld [smem:$0x3FFD];
	_ =	sdelay $0x3  }
0x96: {  	_ =	strace s3  }
0x97: {  	_ =	strace $0x8FFFFFFF  }
0x98: {  	s19 =	sld [smem:$0x3FDB];
	_ =	sdelay $0x1  }
0x99: {  	s4 =	simm.s32 $_scs_section_size  }
0x9a: {  	s5 =	simm.s32 $_size__tile_overlayer_lowered;
	s6 =	simm.s32 $_tile_overlayer_lowered  }
0x9b: {  	s22 =	simm.s32 $0x1BFF;
	s21 =	sshll.u32 s6, $0x1;
	s3 =	sadd.s32 s4, s19  }
0x9c: {  	s7 =	simm.s32 $0x0;
	s20 =	sshll.u32 s5, $0x1;
	s5 =	sadd.s32 s21, s3  }
0x9d: {  	[timem:s7], [sflag:s22] =	dma.local [hbm:s5], s20  }
0x9e: {  	_ =	swait.ge [sflag:s22], s20  }
0x9f: {  	s4 =	ssub.s32 $0x0, s20;
	[sflag:s22] =	ssyncset.done $0x0  }
0xa0: {  	[sflag:s22] =	ssyncadd.s32 s4;
	_ =	sdelay $0x1  }
0xa1: {  	s23 =	simm.s32 $0x1B8B  }
0xa2: {  	_ =	swait.ge [sflag:s23], $0x1  }
0xa3: {  	[sflag:s23] =	ssyncset.done $0x0  }
0xa4: {  	s25 =	simm.s32 $0x1B8E;
	s24 =	sld [smem:$0x3FFE];
	[sflag:s23] =	ssyncadd.s32 $0xFFFFFFFF  }
0xa5: {  	s26 =	simm.s32 $execute0_lowered;
	[smem:$0x3FD2] =	sst s25  }
0xa6: {  	s5 =	sshll.u32 s26, $0x1;
	_ =	strace $0x80000046;
	[dreg:$0x1] =	wrdreg $0xFFFFFFFF  }
0xa7: {  	s28 =	simm.s32 $_size_execute0_lowered;
	s3 =	sadd.s32 s3, s5;
	[dreg:$0x0] =	wrdreg $0x0  }
0xa8: {  	s5 =	sshll.u32 s28, $0x1;
	[dreg:$0x2] =	wrdreg s3  }
0xa9: {  	[dreg:$0x3] =	wrdreg s5  }
0xaa: {  	[dreg:$0x4] =	wrdreg $0xC0  }
0xab: {  	_ =	task [dreg:s7], $0x5FFFF  }
0xac: {  	[dreg:$0x1] =	wrdreg $0xFFFFFFFF  }
0xad: {  	[dreg:$0x0] =	wrdreg $0x60  }
0xae: {  	[dreg:$0x2] =	wrdreg s24  }
0xaf: {  	[dreg:$0x3] =	wrdreg s2  }
0xb0: {  	[dreg:$0x4] =	wrdreg $0x64000  }
0xb1: {  	[dreg:$0x5] =	wrdreg $0x9  }
0xb2: {  	_ =	task.clear_ibuf [dreg:s7], $0x6FFFF;
	_ =	strace $0x90000046  }
0xb3: {  	s29 =	simm.s32 $0x9;
	_ =	strace $0x80000048  }
0xb4: {  	_ =	swait.ge [sflag:s29], $0x1  }
0xb5: {  	[sflag:s29] =	ssyncadd.s32 $0xFFFFFFFF  }
0xb6: {  	_ =	strace $0x90000048  }
0xb7: {  	_ =	sfence  }
0xb8: {  	s30 =	sld [smem:$0x0];
	_ =	sdelay $0x2  }
0xb9: {  	s31 =	sshll.u32 s1, $0xD;
	s1 =	sshrl.u32 s1, $0x2  }
0xba: {  	s3 =	sand.u32 $0x4000, s31;
	s1 =	sadd.s32 s1, s30  }
0xbb: {  	s0 =	sor.u32 s3, s0;
	s1 =	sshll.u32 s1, $0x11  }
0xbc: {  	s0 =	sor.u32 s1, s0  }
0xbd: {  	s0 =	sadd.s32 $0x8F2B, s0  }
0xbe: {  	[sflag:s0] =	ssyncadd.remote.s32 $0x1  }
0xbf: {  	_ =	sfence.sel $0xFFFF  }
0xc0: {  	[dreg:$0x0] =	wrdreg $0xFFFFFFFF;
	(pc) =	sbr.abs _section_cstart, $3  }
0xc1: {  	[dreg:$0x1] =	wrdreg $0xFFFFFFFF  }
0xc2: {  	_ =	task.clear_ibuf [dreg:s7], $0x2FFFF;
	_ =	strace $0x9FFFFFFF  }
0xc3: {  	(tm) =	ssettm $0x7FFFFFFF  }
tec
execute0_lowered:
.L_overlay_start_1:
0x0: {  	(tag) =	ssettag $0x1  }
0x1: {  	s0 =	rddreg [dreg:$0x0];
	s1 =	srdreg.scid  }
0x2: {  	s10 =	stileid.u32;
	s12 =	rddreg [dreg:$0x1];
	s16 =	simm.s32 $0x6500  }
0x3: {  	s17 =	simm.s32 $0x1;
	s19 =	simm.s32 $0xE500;
	s9 =	smul.u32 $0xC8000, s10  }
0x4: {  	s20 =	simm.s32 $0x2;
	s8 =	sand.u32 $0x1, s1;
	s13 =	smul.u32 $0x640000, s10  }
0x5: {  	s22 =	simm.s32 $0x16500;
	s2 =	sshll.u32 s10, $0x1;
	s14 =	smul.u32 $0x320000, s8  }
0x6: {  	s28 =	simm.s32 $0x6;
	s4 =	sor.u32 s8, s2;
	s25 =	smul.u32 $0x64000, s8  }
0x7: {  	s30 =	simm.s32 $0x0;
	s1 =	rddreg [dreg:$0x2];
	s3 =	smul.u32 $0xC80, s4  }
0x8: {  	p0 =	sne.s32 s10, $0x0;
	s2 =	simm.s32 $0x0;
	s6 =	smul.u32 $0x320000, s4  }
0x9: {  	s23 =	ssub.s32 $0x2, s8;
	[smem:$0x7FF] =	sst s2;
	s7 =	smul.u32 $0x64000, s4  }
0xa: {  	s24 =	sshrl.u32 s23, $0x1;
	s15 =	sadd.s32 s9, s12;
	_ =	strace $0x80000047  }
0xb: {  	s13 =	sadd.s32 s14, s13;
	s14 =	simm.s32 $0x7;
	s5 =	sadd.s32 s3, s0  }
0xc: {  	s3 =	sadd.s32 $0x800, s0;
	s6 =	sshrl.u32 s6, $0x3;
	s0 =	ssub.s32 s23, s24  }
0xd: {  	s7 =	sadd.s32 s12, s7;
	s26 =	sadd.s32 $0x28000, s13;
	s13 =	sadd.s32 $0x20000, s13  }
0xe: {  	v0 =	vlaneseq.u32;
	s23 =	simm.s32 $0x3;
	s24 =	simm.s32 $0x4;
	s11 =	sadd.s32 s6, s12  }
.Ltmp0:
0xf: {  	v0 =	vmul.u32 $0x2, v0;
	s4 =	sadd.s32 $0xA00, s5;
	s6 =	smax.u32 s0, $0x1;
	(pc) =	sbr.rel .LBB2_1-.Ltmp0, $4  }
0x10: {  	s0 =	sadd.s32 s25, s15;
	s29 =	sshrl.u32 s26, $0x3;
	s31 =	sshrl.u32 s13, $0x3  }
0x11: {  	v1 =	vor.u32 $0x1, v0;
	s13 =	sshrl.u32 @!p0 s1, $0x3;
	s15 =	simm.s32 $0x80;
	s26 =	simm.s32 $0x5  }
0x12: {  	v2 =	vor.u32 $0x20, v0;
	v3 =	vor.u32 $0x21, v0;
	v4 =	vor.u32 $0x40, v0;
	s5 =	sadd.s32 $0x63000, s11;
	s8 =	sadd.s32 $0x1000, s11;
	s9 =	sadd.s32 $0x2000, s11  }
0x13: {  	v5 =	vor.u32 $0x41, v0;
	v6 =	vor.u32 $0x60, v0;
	v7 =	vor.u32 $0x61, v0;
	s21 =	sadd.s32 $0x3000, s0;
	s11 =	sadd.s32 s29, s12;
	s12 =	sadd.s32 s31, s12  }
.LBB2_8:
0x14: {  	s0 =	simm.s32 $0x6300  }
0x15: {  	[tilespmem:s16], [sflag:$0x1] =	stream.indirect.gather [spmem:s1], $0x100, s0, s15, $0xb8;
	[tilespmem:$0x1E500] =	vst v63  }
0x16: {  	_ =	swait.ge [sflag:s17], $0x8000  }
0x17: {  	[sflag:s17] =	ssyncset.done $0x0  }
0x18: {  	[sflag:s17] =	ssyncadd.s32 $0xFFFF8000  }
0x19: {  	[hbm4b:s5+s2] =	stream.linear.scatter [tilespmem:s16], [sflag:$0x4], $0x8000, $0x38;
	[tilespmem:$0x1E500] =	vst v63  }
0x1a: {  	_ =	swait.ge [sflag:s26], $0x8000  }
0x1b: {  	[sflag:s26] =	ssyncset.done $0x0  }
0x1c: {  	s30 =	sadd.s32 $0x1, s30;
	[sflag:s26] =	ssyncadd.s32 $0xFFFF8000  }
0x1d: {  	p1 =	sne.s32 s30, s6;
	_ =	swait.ge [sflag:s28], $0x8000  }
.Ltmp1:
0x1e: {  	[sflag:s28] =	ssyncset.done $0x0;
	(pc) =	sbr.rel @!p1 .LBB2_9-.Ltmp1, $4  }
0x1f: {  	[sflag:s28] =	ssyncadd.s32 $0xFFFF8000  }
0x20: {  	_ =	swait.ge [sflag:s24], $0x8000  }
0x21: {  	[sflag:s24] =	ssyncset.done $0x0  }
0x22: {  	[sflag:s24] =	ssyncadd.s32 $0xFFFF8000  }
.LBB2_1:
0x23: {  	s0 =	simm.s32 @!p0 $0x1C07  }
0x24: {  	[spmem:s13], [sflag:s0] =	dma.local @!p0 [hbm:s3], $0x200  }
0x25: {  	s0 =	simm.s32 @!p0 $0x7  }
0x26: {  	_ =	swait.ge @!p0 [sflag:s0], $0x200  }
0x27: {  	[sflag:s0] =	ssyncset.done @!p0 $0x0  }
0x28: {  	[sflag:s0] =	ssyncadd.s32 @!p0 $0xFFFFFE00  }
0x29: {  	[tilespmem:s2], [sflag:$0x7] =	stream.linear.gather [hbm4b:s4+s2], $0x6400, $0x38;
	[tilespmem:$0x1E500] =	vst v63  }
0x2a: {  	_ =	swait.ge [sflag:s14], $0x6400  }
0x2b: {  	[sflag:s14] =	ssyncset.done $0x0  }
0x2c: {  	s0 =	simm.s32 $0x0;
	[sflag:s14] =	ssyncadd.s32 $0xFFFF9C00  }
0x2d: {  	v10 =	vld [tilespmem:s0+$0x0]  }
0x2e: {  	v13 =	vld [tilespmem:s0+$0x10]  }
0x2f: {  	v12 =	vld [tilespmem:s0+$0x20]  }
0x30: {  	v11 =	vld [tilespmem:s0+$0x30]  }
0x31: {  	v8 =	vld [tilespmem:s0+$0x40]  }
0x32: {  	v9 =	vld [tilespmem:s0+$0x50];
	vm0 =	vlt.s32 v10, $0x3  }
0x33: {  	s18 =	simm.s32 $0x200;
	v14 =	vnsel vm0, $0x3, v10;
	vm0 =	vlt.s32 v13, $0x3;
	v10 =	vld [tilespmem:s0+$0x60]  }
.LBB2_2:
0x34: {  	s10 =	sshra.s32 s18, $0x2;
	p1 =	sne.s32 s18, $0x18E00;
	[tilespmem:s0+$0x0] =	vst v14;
	v13 =	vnsel vm0, $0x3, v13;
	vm0 =	vlt.s32 v12, $0x3;
	v14 =	vld [tilespmem:s0+$0x70]  }
0x35: {  	v15 =	vld [tilespmem:s10+$0x0];
	[tilespmem:s0+$0x10] =	vst v13;
	v12 =	vnsel vm0, $0x3, v12;
	vm0 =	vlt.s32 v11, $0x3  }
0x36: {  	v13 =	vld [tilespmem:s10+$0x10];
	[tilespmem:s0+$0x20] =	vst v12;
	v11 =	vnsel vm0, $0x3, v11;
	vm0 =	vlt.s32 v8, $0x3  }
.Ltmp2:
0x37: {  	v12 =	vld [tilespmem:s10+$0x20];
	[tilespmem:s0+$0x30] =	vst v11;
	v8 =	vnsel vm0, $0x3, v8;
	vm0 =	vlt.s32 v9, $0x3;
	(pc) =	sbr.rel @p1 .LBB2_2-.Ltmp2, $4  }
0x38: {  	v11 =	vld [tilespmem:s10+$0x30];
	[tilespmem:s0+$0x40] =	vst v8;
	v9 =	vnsel vm0, $0x3, v9;
	vm0 =	vlt.s32 v10, $0x3  }
0x39: {  	v8 =	vld [tilespmem:s10+$0x40];
	[tilespmem:s0+$0x50] =	vst v9;
	v10 =	vnsel vm0, $0x3, v10;
	vm0 =	vlt.s32 v14, $0x3  }
0x3a: {  	vm1 =	vlt.s32 v15, $0x3;
	v9 =	vld [tilespmem:s10+$0x50];
	[tilespmem:s0+$0x60] =	vst v10;
	v16 =	vnsel vm0, $0x3, v14  }
0x3b: {  	s18 =	sadd.s32 $0x200, s18;
	v14 =	vnsel vm1, $0x3, v15;
	vm0 =	vlt.s32 v13, $0x3;
	v10 =	vld [tilespmem:s10+$0x60];
	[tilespmem:s0+$0x70] =	vst v16;
	s0 =	smov.u32 s10  }
0x3c: {  	[tilespmem:s0+$0x0] =	vst v14;
	v13 =	vnsel vm0, $0x3, v13;
	vm10 =	vlt.s32 v12, $0x3;
	v63 =	vld [tilespmem:s0+$0x70]  }
0x3d: {  	[tilespmem:s0+$0x10] =	vst v13;
	v12 =	vnsel vm10, $0x3, v12;
	vm11 =	vlt.s32 v11, $0x3  }
0x3e: {  	[tilespmem:s0+$0x20] =	vst v12;
	v11 =	vnsel vm11, $0x3, v11;
	vm12 =	vlt.s32 v8, $0x3  }
0x3f: {  	[tilespmem:s0+$0x30] =	vst v11;
	v8 =	vnsel vm12, $0x3, v8;
	vm13 =	vlt.s32 v9, $0x3  }
0x40: {  	[tilespmem:s0+$0x40] =	vst v8;
	v8 =	vnsel vm13, $0x3, v9;
	vm14 =	vlt.s32 v10, $0x3  }
0x41: {  	[tilespmem:s0+$0x50] =	vst v8;
	v8 =	vnsel vm14, $0x3, v10;
	vm15 =	vlt.s32 v63, $0x3  }
0x42: {  	[tilespmem:s0+$0x60] =	vst v8;
	v8 =	vnsel vm15, $0x3, v63  }
0x43: {  	s31 =	simm.s32 $0x0;
	[tilespmem:s0+$0x70] =	vst v8  }
0x44: {  	v8 =	vld.idx.msk [tilespmem:v0+s31+$0x0], $0xffff  }
0x45: {  	v9 =	vld.idx.msk [tilespmem:v1+s31+$0x0], $0xffff;
	_ =	sdelay $0x3  }
0x46: {  	v8 =	vshll.u32 v8, $0x2  }
0x47: {  	v8 =	vadd.s32 v9, v8  }
0x48: {  	[tilespmem:s31+$0x0] =	vst v8  }
0x49: {  	v8 =	vld.idx.msk [tilespmem:v2+s31+$0x0], $0xffff  }
0x4a: {  	v9 =	vld.idx.msk [tilespmem:v3+s31+$0x0], $0xffff;
	_ =	sdelay $0x3  }
0x4b: {  	v8 =	vshll.u32 v8, $0x2  }
0x4c: {  	v8 =	vadd.s32 v9, v8  }
0x4d: {  	[tilespmem:s31+$0x10] =	vst v8  }
0x4e: {  	v8 =	vld.idx.msk [tilespmem:v4+s31+$0x0], $0xffff  }
0x4f: {  	v9 =	vld.idx.msk [tilespmem:v5+s31+$0x0], $0xffff;
	_ =	sdelay $0x3  }
0x50: {  	v8 =	vshll.u32 v8, $0x2  }
0x51: {  	v8 =	vadd.s32 v9, v8  }
0x52: {  	[tilespmem:s31+$0x20] =	vst v8  }
0x53: {  	v8 =	vld.idx.msk [tilespmem:v6+s31+$0x0], $0xffff  }
0x54: {  	v9 =	vld.idx.msk [tilespmem:v7+s31+$0x0], $0xffff;
	_ =	sdelay $0x3  }
0x55: {  	v8 =	vshll.u32 v8, $0x2  }
0x56: {  	v8 =	vadd.s32 v9, v8  }
0x57: {  	[tilespmem:s31+$0x30] =	vst v8  }
0x58: {  	v8 =	vld.idx.msk [tilespmem:v0+s31+$0x80], $0xffff  }
0x59: {  	v9 =	vld.idx.msk [tilespmem:v1+s31+$0x80], $0xffff;
	_ =	sdelay $0x3  }
0x5a: {  	v8 =	vshll.u32 v8, $0x2  }
0x5b: {  	v8 =	vadd.s32 v9, v8  }
0x5c: {  	[tilespmem:s31+$0x40] =	vst v8  }
0x5d: {  	v8 =	vld.idx.msk [tilespmem:v2+s31+$0x80], $0xffff  }
0x5e: {  	v9 =	vld.idx.msk [tilespmem:v3+s31+$0x80], $0xffff;
	_ =	sdelay $0x3  }
0x5f: {  	v8 =	vshll.u32 v8, $0x2  }
0x60: {  	v8 =	vadd.s32 v9, v8  }
0x61: {  	[tilespmem:s31+$0x50] =	vst v8  }
0x62: {  	v8 =	vld.idx.msk [tilespmem:v4+s31+$0x80], $0xffff  }
0x63: {  	v9 =	vld.idx.msk [tilespmem:v5+s31+$0x80], $0xffff;
	_ =	sdelay $0x3  }
0x64: {  	v8 =	vshll.u32 v8, $0x2  }
0x65: {  	v8 =	vadd.s32 v9, v8  }
0x66: {  	[tilespmem:s31+$0x60] =	vst v8  }
0x67: {  	v8 =	vld.idx.msk [tilespmem:v6+s31+$0x80], $0xffff  }
0x68: {  	v9 =	vld.idx.msk [tilespmem:v7+s31+$0x80], $0xffff;
	_ =	sdelay $0x3  }
0x69: {  	v8 =	vshll.u32 v8, $0x2  }
0x6a: {  	s18 =	simm.s32 $0x800;
	s0 =	simm.s32 $0x400;
	v8 =	vadd.s32 v9, v8  }
.LBB2_4:
0x6b: {  	p1 =	sne.s32 s18, $0x18C00  }
0x6c: {  	[tilespmem:s31+$0x70] =	vst v8;
	s31 =	sshra.s32 s0, $0x2;
	s0 =	smov.u32 s18;
	s18 =	sadd.s32 $0x400, s18  }
0x6d: {  	v8 =	vld.idx.msk [tilespmem:v0+s31+$0x0], $0xffff  }
0x6e: {  	v9 =	vld.idx.msk [tilespmem:v1+s31+$0x0], $0xffff;
	_ =	sdelay $0x4  }
0x6f: {  	v8 =	vshll.u32 v8, $0x2  }
0x70: {  	v8 =	vadd.s32 v9, v8  }
0x71: {  	[tilespmem:s31+$0x0] =	vst v8  }
0x72: {  	v8 =	vld.idx.msk [tilespmem:v2+s31+$0x0], $0xffff  }
0x73: {  	v9 =	vld.idx.msk [tilespmem:v3+s31+$0x0], $0xffff;
	_ =	sdelay $0x4  }
0x74: {  	v8 =	vshll.u32 v8, $0x2  }
0x75: {  	v8 =	vadd.s32 v9, v8  }
0x76: {  	[tilespmem:s31+$0x10] =	vst v8  }
0x77: {  	v8 =	vld.idx.msk [tilespmem:v4+s31+$0x0], $0xffff  }
0x78: {  	v9 =	vld.idx.msk [tilespmem:v5+s31+$0x0], $0xffff;
	_ =	sdelay $0x4  }
0x79: {  	v8 =	vshll.u32 v8, $0x2  }
0x7a: {  	v8 =	vadd.s32 v9, v8  }
0x7b: {  	[tilespmem:s31+$0x20] =	vst v8  }
0x7c: {  	v8 =	vld.idx.msk [tilespmem:v6+s31+$0x0], $0xffff  }
0x7d: {  	v9 =	vld.idx.msk [tilespmem:v7+s31+$0x0], $0xffff;
	_ =	sdelay $0x4  }
0x7e: {  	v8 =	vshll.u32 v8, $0x2  }
0x7f: {  	v8 =	vadd.s32 v9, v8  }
0x80: {  	[tilespmem:s31+$0x30] =	vst v8  }
0x81: {  	v8 =	vld.idx.msk [tilespmem:v0+s31+$0x80], $0xffff  }
0x82: {  	v9 =	vld.idx.msk [tilespmem:v1+s31+$0x80], $0xffff;
	_ =	sdelay $0x4  }
0x83: {  	v8 =	vshll.u32 v8, $0x2  }
0x84: {  	v8 =	vadd.s32 v9, v8  }
0x85: {  	[tilespmem:s31+$0x40] =	vst v8  }
0x86: {  	v8 =	vld.idx.msk [tilespmem:v2+s31+$0x80], $0xffff  }
0x87: {  	v9 =	vld.idx.msk [tilespmem:v3+s31+$0x80], $0xffff;
	_ =	sdelay $0x4  }
0x88: {  	v8 =	vshll.u32 v8, $0x2  }
0x89: {  	v8 =	vadd.s32 v9, v8  }
0x8a: {  	[tilespmem:s31+$0x50] =	vst v8  }
0x8b: {  	v8 =	vld.idx.msk [tilespmem:v4+s31+$0x80], $0xffff  }
0x8c: {  	v9 =	vld.idx.msk [tilespmem:v5+s31+$0x80], $0xffff;
	_ =	sdelay $0x4  }
0x8d: {  	v8 =	vshll.u32 v8, $0x2  }
0x8e: {  	v8 =	vadd.s32 v9, v8  }
0x8f: {  	[tilespmem:s31+$0x60] =	vst v8  }
0x90: {  	v8 =	vld.idx.msk [tilespmem:v6+s31+$0x80], $0xffff  }
0x91: {  	v9 =	vld.idx.msk [tilespmem:v7+s31+$0x80], $0xffff;
	_ =	sdelay $0x1  }
.Ltmp3:
0x92: {  	(pc) =	sbr.rel @p1 .LBB2_4-.Ltmp3, $3  }
0x93: {  	_ =	sdelay $0x1  }
0x94: {  	v8 =	vshll.u32 v8, $0x2  }
0x95: {  	v8 =	vadd.s32 v9, v8  }
0x96: {  	_ =	sdelay $0x2  }
0x97: {  	s0 =	sshra.s32 s0, $0x2;
	[tilespmem:s31+$0x70] =	vst v8  }
0x98: {  	v8 =	vld.idx.msk [tilespmem:v0+s0+$0x0], $0xffff  }
0x99: {  	v9 =	vld.idx.msk [tilespmem:v1+s0+$0x0], $0xffff;
	_ =	sdelay $0x3  }
0x9a: {  	v8 =	vshll.u32 v8, $0x2  }
0x9b: {  	v8 =	vadd.s32 v9, v8  }
0x9c: {  	[tilespmem:s0+$0x0] =	vst v8  }
0x9d: {  	v8 =	vld.idx.msk [tilespmem:v2+s0+$0x0], $0xffff  }
0x9e: {  	v57 =	vld.idx.msk [tilespmem:v3+s0+$0x0], $0xffff;
	_ =	sdelay $0x3  }
0x9f: {  	v8 =	vshll.u32 v8, $0x2  }
0xa0: {  	v8 =	vadd.s32 v57, v8  }
0xa1: {  	[tilespmem:s0+$0x10] =	vst v8  }
0xa2: {  	v8 =	vld.idx.msk [tilespmem:v4+s0+$0x0], $0xffff  }
0xa3: {  	v58 =	vld.idx.msk [tilespmem:v5+s0+$0x0], $0xffff;
	_ =	sdelay $0x3  }
0xa4: {  	v8 =	vshll.u32 v8, $0x2  }
0xa5: {  	v8 =	vadd.s32 v58, v8  }
0xa6: {  	[tilespmem:s0+$0x20] =	vst v8  }
0xa7: {  	v8 =	vld.idx.msk [tilespmem:v6+s0+$0x0], $0xffff  }
0xa8: {  	v59 =	vld.idx.msk [tilespmem:v7+s0+$0x0], $0xffff;
	_ =	sdelay $0x3  }
0xa9: {  	v8 =	vshll.u32 v8, $0x2  }
0xaa: {  	v8 =	vadd.s32 v59, v8  }
0xab: {  	[tilespmem:s0+$0x30] =	vst v8  }
0xac: {  	v8 =	vld.idx.msk [tilespmem:v0+s0+$0x80], $0xffff  }
0xad: {  	v60 =	vld.idx.msk [tilespmem:v1+s0+$0x80], $0xffff;
	_ =	sdelay $0x3  }
0xae: {  	v8 =	vshll.u32 v8, $0x2  }
0xaf: {  	v8 =	vadd.s32 v60, v8  }
0xb0: {  	[tilespmem:s0+$0x40] =	vst v8  }
0xb1: {  	v8 =	vld.idx.msk [tilespmem:v2+s0+$0x80], $0xffff  }
0xb2: {  	v61 =	vld.idx.msk [tilespmem:v3+s0+$0x80], $0xffff;
	_ =	sdelay $0x3  }
0xb3: {  	v8 =	vshll.u32 v8, $0x2  }
0xb4: {  	v8 =	vadd.s32 v61, v8  }
0xb5: {  	[tilespmem:s0+$0x50] =	vst v8  }
0xb6: {  	v8 =	vld.idx.msk [tilespmem:v4+s0+$0x80], $0xffff  }
0xb7: {  	v62 =	vld.idx.msk [tilespmem:v5+s0+$0x80], $0xffff;
	_ =	sdelay $0x3  }
0xb8: {  	v8 =	vshll.u32 v8, $0x2  }
0xb9: {  	v8 =	vadd.s32 v62, v8  }
0xba: {  	[tilespmem:s0+$0x60] =	vst v8  }
0xbb: {  	v8 =	vld.idx.msk [tilespmem:v6+s0+$0x80], $0xffff  }
0xbc: {  	v63 =	vld.idx.msk [tilespmem:v7+s0+$0x80], $0xffff;
	_ =	sdelay $0x3  }
0xbd: {  	v8 =	vshll.u32 v8, $0x2  }
0xbe: {  	v8 =	vadd.s32 v63, v8  }
0xbf: {  	[tilespmem:s0+$0x70] =	vst v8  }
0xc0: {  	s0 =	simm.s32 $0x0;
	[bflag:$0x0] =	sbarrier.arrive $0xFFFF  }
0xc1: {  	[tilespmem:s16], [sflag:$0x1] =	stream.indirect.gather [spmem:s1], $0x100, s0, s15, $0xb8;
	[tilespmem:$0x1E500] =	vst v63  }
0xc2: {  	_ =	swait.ge [sflag:s17], $0x8000  }
0xc3: {  	[sflag:s17] =	ssyncset.done $0x0  }
0xc4: {  	[sflag:s17] =	ssyncadd.s32 $0xFFFF8000  }
0xc5: {  	[hbm4b:s7+s0] =	stream.linear.scatter [tilespmem:s16], [sflag:$0x4], $0x8000, $0x38;
	[tilespmem:$0x1E500] =	vst v63  }
0xc6: {  	s10 =	simm.s32 $0x100  }
0xc7: {  	[tilespmem:s19], [sflag:$0x2] =	stream.indirect.gather [spmem:s1], $0x100, s10, s15, $0xb8;
	[tilespmem:$0x1E500] =	vst v63  }
0xc8: {  	_ =	swait.ge [sflag:s20], $0x8000  }
0xc9: {  	[sflag:s20] =	ssyncset.done $0x0  }
0xca: {  	[sflag:s20] =	ssyncadd.s32 $0xFFFF8000  }
0xcb: {  	[hbm4b:s8+s0] =	stream.linear.scatter [tilespmem:s19], [sflag:$0x5], $0x8000, $0x38;
	[tilespmem:$0x1E500] =	vst v63  }
0xcc: {  	s25 =	simm.s32 $0x200  }
0xcd: {  	[tilespmem:s22], [sflag:$0x3] =	stream.indirect.gather [spmem:s1], $0x100, s25, s15, $0xb8;
	[tilespmem:$0x1E500] =	vst v63  }
0xce: {  	_ =	swait.ge [sflag:s23], $0x8000  }
0xcf: {  	[sflag:s23] =	ssyncset.done $0x0  }
0xd0: {  	[sflag:s23] =	ssyncadd.s32 $0xFFFF8000  }
0xd1: {  	[hbm4b:s9+s0] =	stream.linear.scatter [tilespmem:s22], [sflag:$0x6], $0x8000, $0x38;
	[tilespmem:$0x1E500] =	vst v63  }
0xd2: {  	_ =	swait.ge [sflag:s24], $0x8000  }
0xd3: {  	s29 =	simm.s32 $0x300;
	s18 =	smov.u32 s12;
	[sflag:s24] =	ssyncset.done $0x0  }
0xd4: {  	s31 =	smov.u32 s11;
	s10 =	smov.u32 s21;
	[sflag:s24] =	ssyncadd.s32 $0xFFFF8000  }
0xd5: {  	[tilespmem:s16], [sflag:$0x1] =	stream.indirect.gather [spmem:s1], $0x100, s29, s15, $0xb8;
	[tilespmem:$0x1E500] =	vst v63  }
.LBB2_6:
0xd6: {  	_ =	swait.ge [sflag:s17], $0x8000  }
0xd7: {  	[sflag:s17] =	ssyncset.done $0x0  }
0xd8: {  	[sflag:s17] =	ssyncadd.s32 $0xFFFF8000  }
0xd9: {  	[hbm4b:s10+s2] =	stream.linear.scatter [tilespmem:s16], [sflag:$0x4], $0x8000, $0x38;
	[tilespmem:$0x1E500] =	vst v63  }
0xda: {  	_ =	swait.ge [sflag:s26], $0x8000  }
0xdb: {  	s25 =	sshra.s32 s0, $0x2;
	[sflag:s26] =	ssyncset.done $0x0  }
0xdc: {  	s29 =	sadd.s32 $0x400, s25;
	[sflag:s26] =	ssyncadd.s32 $0xFFFF8000  }
0xdd: {  	[tilespmem:s19], [sflag:$0x2] =	stream.indirect.gather [spmem:s1], $0x100, s29, s15, $0xb8;
	[tilespmem:$0x1E500] =	vst v63  }
0xde: {  	_ =	swait.ge [sflag:s20], $0x8000  }
0xdf: {  	[sflag:s20] =	ssyncset.done $0x0  }
0xe0: {  	[sflag:s20] =	ssyncadd.s32 $0xFFFF8000  }
0xe1: {  	[hbm4b:s18+s2] =	stream.linear.scatter [tilespmem:s19], [sflag:$0x5], $0x8000, $0x38;
	[tilespmem:$0x1E500] =	vst v63  }
0xe2: {  	_ =	swait.ge [sflag:s28], $0x8000  }
0xe3: {  	[sflag:s28] =	ssyncset.done $0x0  }
0xe4: {  	s29 =	sadd.s32 $0x500, s25;
	[sflag:s28] =	ssyncadd.s32 $0xFFFF8000  }
0xe5: {  	[tilespmem:s22], [sflag:$0x3] =	stream.indirect.gather [spmem:s1], $0x100, s29, s15, $0xb8;
	[tilespmem:$0x1E500] =	vst v63  }
0xe6: {  	_ =	swait.ge [sflag:s23], $0x8000  }
0xe7: {  	p1 =	seq.s32 s0, $0x17400;
	[sflag:s23] =	ssyncset.done $0x0  }
.Ltmp4:
0xe8: {  	[sflag:s23] =	ssyncadd.s32 $0xFFFF8000;
	(pc) =	sbr.rel @p1 .LBB2_8-.Ltmp4, $4  }
0xe9: {  	[hbm4b:s31+s2] =	stream.linear.scatter [tilespmem:s22], [sflag:$0x6], $0x8000, $0x38;
	[tilespmem:$0x1E500] =	vst v63  }
0xea: {  	_ =	swait.ge [sflag:s24], $0x8000  }
0xeb: {  	[sflag:s24] =	ssyncset.done $0x0  }
0xec: {  	[sflag:s24] =	ssyncadd.s32 $0xFFFF8000  }
.Ltmp5:
0xed: {  	(pc) =	sbr.rel .LBB2_6-.Ltmp5, $4  }
0xee: {  	_ = 	snop  }
0xef: {  	s25 =	sadd.s32 $0x600, s25;
	s0 =	sadd.s32 $0xC00, s0  }
0xf0: {  	s10 =	sadd.s32 $0x3000, s10;
	s31 =	sadd.s32 $0x3000, s31;
	s18 =	sadd.s32 $0x3000, s18  }
0xf1: {  	[tilespmem:s16], [sflag:$0x1] =	stream.indirect.gather [spmem:s1], $0x100, s25, s15, $0xb8;
	[tilespmem:$0x1E500] =	vst v63  }
.LBB2_9:
0xf2: {  	_ =	sfence.sel $0x180000  }
0xf3: {  	[bflag:$0x0] =	sbarrier.arrive $0xFFFF  }
0xf4: {  	_ =	strace $0x90000047  }
0xf5: {  	[bflag:$0x2] =	sbarrier.arrive $0xFFFF  }
0xf6: {  	s0 =	rddreg [dreg:$0x3]  }
0xf7: {  	s0 =	sadd.s32 @!p0 $0x100000, s0  }
0xf8: {  	[sflag:s0] =	ssyncadd.tile.s32 @!p0 $0x1;
	_ =	shalt  }
.Lfunc_end2:
_tile_overlayer_lowered:
.L_overlay_start_2:
0xf9: {  	(tag) =	ssettag $0x2  }
0xfa: {  	s0 =	rddreg [dreg:$0x0];
	s2 =	stileid.u32  }
0xfb: {  	s1 =	rddreg [dreg:$0x1];
	p0 =	sne.s32 s2, $0x0  }
0xfc: {  	s3 =	rddreg [dreg:$0x2];
	[bflag:$0x3] =	sbarrier.arrive $0xFFFF;
	s2 =	simm.s32 @!p0 $0x1C07  }
0xfd: {  	[timem:s3], [sflag:s2] =	dma.local @!p0 [hbm:s0], s1  }
0xfe: {  	s0 =	simm.s32 @!p0 $0x7  }
0xff: {  	_ =	swait.ge @!p0 [sflag:s0], s1  }
0x100: {  	s1 =	ssub.s32 @!p0 $0x0, s1;
	[sflag:s0] =	ssyncset.done @!p0 $0x0  }
0x101: {  	[sflag:s0] =	ssyncadd.s32 @!p0 s1  }
0x102: {  	[bflag:$0x3] =	sbarrier.arrive $0xFFFF  }
0x103: {  	_ =	shalt  }

</sc_bundles>
